<compile_context>
chip_gen: v7x
topology: tpu7x:2x2x1
jax: 0.10.2.dev20260603
libtpu: 0.0.44.dev20260713+nightly
codegen_flags: <defaults>
</compile_context>

<pallas_src>
import functools

import jax
import jax.numpy as jnp
from jax import lax
from jax.experimental import pallas as pl
from jax.experimental.pallas import tpu as pltpu
from jax.experimental.pallas import tpu_sc as plsc

N = 10000
D = 128
E = 320000

NC = 2
NS = 16
NW = NC * NS

NPAD = 10240
RPT = NPAD // NS

EPT = 10240
EPAD = EPT * NW
NB = EPT // 128

_MESH = plsc.VectorSubcoreMesh(core_axis_name="c", subcore_axis_name="s")


@functools.partial(
    pl.kernel,
    out_type=jax.ShapeDtypeStruct((NC, NPAD), jnp.float32),
    mesh=_MESH,
    scratch_types=[
        pltpu.VMEM((NB, 128), jnp.int32),
        pltpu.VMEM((128,), jnp.float32),
        pltpu.VMEM_SHARED((NPAD,), jnp.float32),
    ],
)
def _deg_kernel(dst_hbm, ones_hbm, zeros1_hbm, deg_hbm, dst_v, ones_v, sdeg):
    c = lax.axis_index("c")
    s = lax.axis_index("s")
    w = s * NC + c
    pltpu.sync_copy(zeros1_hbm.at[pl.ds(s * RPT, RPT)], sdeg.at[pl.ds(s * RPT, RPT)])
    pltpu.sync_copy(dst_hbm.at[pl.ds(w * NB, NB)], dst_v)
    pltpu.sync_copy(ones_hbm, ones_v)
    plsc.subcore_barrier()

    def body(j, carry):
        pltpu.sync_copy(ones_v, sdeg.at[dst_v.at[j]], add=True)
        return carry

    lax.fori_loop(0, NB, body, 0)
    plsc.subcore_barrier()
    pltpu.sync_copy(sdeg.at[pl.ds(s * RPT, RPT)], deg_hbm.at[c, pl.ds(s * RPT, RPT)])


@functools.partial(
    pl.kernel,
    out_type=jax.ShapeDtypeStruct((NC, NPAD, D), jnp.float32),
    mesh=_MESH,
    scratch_types=[
        pltpu.VMEM((NB, 128), jnp.int32),
        [pltpu.VMEM((128,), jnp.int32) for _ in range(2)],
        [pltpu.VMEM((128,), jnp.int32) for _ in range(2)],
        [pltpu.VMEM((128, D), jnp.float32) for _ in range(2)],
        pltpu.VMEM_SHARED((NPAD, D), jnp.float32),
        [pltpu.SemaphoreType.DMA for _ in range(2)],
    ],
)
def _edge_kernel(y_hbm, pk_hbm, zeros2_hbm, part_hbm,
                 pk_v, srcs, dsts, rows, acc, gsem):
    c = lax.axis_index("c")
    s = lax.axis_index("s")
    w = s * NC + c
    pltpu.sync_copy(zeros2_hbm, acc.at[pl.ds(s * RPT, RPT)])
    pltpu.sync_copy(pk_hbm.at[pl.ds(w * NB, NB)], pk_v)
    plsc.subcore_barrier()

    def unpack(j, q):
        for k in range(8):
            v = pk_v[j, pl.ds(k * 16, 16)]
            srcs[q][pl.ds(k * 16, 16)] = lax.bitwise_and(v, 0xFFFF)
            dsts[q][pl.ds(k * 16, 16)] = lax.shift_right_logical(v, 16)

    def gather(q):
        pltpu.async_copy(y_hbm.at[srcs[q]], rows[q], gsem[q])

    def gwait(q):
        pltpu.make_async_copy(y_hbm.at[srcs[q]], rows[q], gsem[q]).wait()

    def scatter(q):
        pltpu.sync_copy(rows[q], acc.at[dsts[q]], add=True)

    unpack(jnp.int32(0), 0)
    gather(0)

    def body(i, carry):
        j0 = 2 * i
        unpack(j0 + 1, 1)
        gather(1)
        gwait(0)
        scatter(0)

        @pl.when(i < NB // 2 - 1)
        def _():
            unpack(j0 + 2, 0)
            gather(0)

        gwait(1)
        scatter(1)
        return carry

    lax.fori_loop(0, NB // 2, body, 0)
    plsc.subcore_barrier()
    pltpu.sync_copy(acc.at[pl.ds(s * RPT, RPT)],
                    part_hbm.at[c, pl.ds(s * RPT, RPT)])


def _mm_body(x_ref, w_ref, xw_ref):
    xw_ref[...] = jnp.dot(x_ref[...], w_ref[...],
                          preferred_element_type=jnp.float32)


def _matmul(x_pad, W):
    blk = 1024
    return pl.pallas_call(
        _mm_body,
        grid=(NPAD // blk,),
        in_specs=[
            pl.BlockSpec((blk, D), lambda i: (i, 0)),
            pl.BlockSpec((D, D), lambda i: (0, 0)),
        ],
        out_specs=pl.BlockSpec((blk, D), lambda i: (i, 0)),
        out_shape=jax.ShapeDtypeStruct((NPAD, D), jnp.float32),
    )(x_pad, W)


def _scale_body(xw_ref, degp_ref, y_ref, dis_ref):
    deg = degp_ref[0, :] + degp_ref[1, :] + 1.0
    dis = lax.rsqrt(deg)
    y_ref[...] = xw_ref[...] * dis[:, None]
    dis_ref[...] = dis


def _scale(xw, degp):
    blk = 1024
    return pl.pallas_call(
        _scale_body,
        grid=(NPAD // blk,),
        in_specs=[
            pl.BlockSpec((blk, D), lambda i: (i, 0)),
            pl.BlockSpec((NC, blk), lambda i: (0, i)),
        ],
        out_specs=[
            pl.BlockSpec((blk, D), lambda i: (i, 0)),
            pl.BlockSpec((blk,), lambda i: (i,)),
        ],
        out_shape=[
            jax.ShapeDtypeStruct((NPAD, D), jnp.float32),
            jax.ShapeDtypeStruct((NPAD,), jnp.float32),
        ],
    )(xw, degp)


def _comb_body(part_ref, y_ref, dis_ref, b_ref, out_ref):
    tot = part_ref[0] + part_ref[1] + y_ref[...]
    out = tot * dis_ref[...][:, None] + b_ref[...][None, :]
    out_ref[...] = jnp.maximum(out, 0.0)


def _combine(part, y, dis, b):
    blk = 1024
    return pl.pallas_call(
        _comb_body,
        grid=(NPAD // blk,),
        in_specs=[
            pl.BlockSpec((NC, blk, D), lambda i: (0, i, 0)),
            pl.BlockSpec((blk, D), lambda i: (i, 0)),
            pl.BlockSpec((blk,), lambda i: (i,)),
            pl.BlockSpec((D,), lambda i: (0,)),
        ],
        out_specs=pl.BlockSpec((blk, D), lambda i: (i, 0)),
        out_shape=jax.ShapeDtypeStruct((NPAD, D), jnp.float32),
    )(part, y, dis, b)


def kernel(x, edge_index, W, b):
    src = edge_index[0].astype(jnp.int32)
    dst = edge_index[1].astype(jnp.int32)
    pad = N + jnp.arange(EPAD - E, dtype=jnp.int32) % (NPAD - N)
    srcp = jnp.concatenate([src, pad]).reshape(EPAD // 128, 128)
    dstp = jnp.concatenate([dst, pad]).reshape(EPAD // 128, 128)
    packed = jnp.bitwise_or(jnp.left_shift(dstp, 16), srcp)

    x_pad = jnp.pad(x, ((0, NPAD - N), (0, 0)))

    ones2 = jnp.ones((128,), jnp.float32)
    zeros1 = jnp.zeros((NPAD,), jnp.float32)
    zeros2 = jnp.zeros((RPT, D), jnp.float32)

    degp = _deg_kernel(dstp, ones2, zeros1)
    xw = _matmul(x_pad, W)
    y, dis = _scale(xw, degp)
    part = _edge_kernel(y, packed, zeros2)
    out = _combine(part, y, dis, b)
    return out[:N]

# --- scband reference (transcript-rebuilt; emitter-appended) ---
"""Pipeline reference for scband-simple-gnnlayer-53661321396294 (READ-ONLY COPY).

The authoritative reference and input builder live on the scoring server;
editing this copy changes nothing except your own understanding.
"""

import jax, jax.numpy as jnp
import numpy as np

N_NODES = 10000
D_IN = 128
D_HID = 128
N_EDGES = 320000

def setup_inputs(seed: int = 0) -> dict:
    key = jax.random.key(seed)
    k1, k2, k3, k4 = jax.random.split(key, 4)
    x = jax.random.normal(k1, (N_NODES, D_IN), dtype=jnp.float32)
    edge_index = jax.random.randint(k2, (2, N_EDGES), 0, N_NODES, dtype=jnp.int64)
    # GCNConv learned params: weight (glorot) and bias (zeros-init, use small randn for nontrivial grads)
    limit = float(np.sqrt(6.0 / (D_IN + D_HID)))
    W = jax.random.uniform(k3, (D_IN, D_HID), minval=-limit, maxval=limit, dtype=jnp.float32)
    b = jax.random.normal(k4, (D_HID,), dtype=jnp.float32) * 0.01
    return {"x": x, "edge_index": edge_index, "W": W, "b": b}

def reference(x, edge_index, W, b):
    # SimpleGNNLayer.forward: x = dropout(relu(gnn(x, edge_index)))
    # gnn = GCNConv(in_channels, hidden_size) with default add_self_loops=True,
    # symmetric normalization D^-1/2 A_hat D^-1/2, and bias.
    # Dropout is identity in eval mode.
    N = x.shape[0]
    src = edge_index[0]
    dst = edge_index[1]
    loop = jnp.arange(N, dtype=edge_index.dtype)
    src = jnp.concatenate([src, loop])
    dst = jnp.concatenate([dst, loop])
    xw = x @ W  # (N, D_HID)
    ones = jnp.ones(src.shape[0], dtype=x.dtype)
    deg = jnp.zeros((N,), dtype=x.dtype).at[dst].add(ones)
    deg_inv_sqrt = jnp.where(deg > 0, jax.lax.rsqrt(jnp.where(deg > 0, deg, 1.0)), 0.0)
    norm = deg_inv_sqrt[src] * deg_inv_sqrt[dst]  # (E+N,)
    msg = xw[src] * norm[:, None]  # gather + scale
    agg = jnp.zeros((N, xw.shape[1]), dtype=x.dtype).at[dst].add(msg)  # scatter-add
    out = agg + b
    return jax.nn.relu(out)

if __name__ == "__main__":
    import jax
    _d = setup_inputs()
    print(jax.jit(kernel)(*tuple(_d.values())))

</pallas_src>

<mosaic_0001>
#map = affine_map<(d0, d1) -> (0, 0)>
#map1 = affine_map<(d0, d1) -> (0)>
module attributes {stable_mosaic.version = 14 : i64} {
  func.func @_deg_kernel(%arg0: i32, %arg1: i32, %arg2: memref<2560x128xi32, #tpu.memory_space<hbm>>, %arg3: memref<128xf32, #tpu.memory_space<hbm>>, %arg4: memref<10240xf32, #tpu.memory_space<hbm>>, %arg5: memref<2x10240xf32, #tpu.memory_space<hbm>>, %arg6: memref<80x128xi32, #tpu.memory_space<vmem>>, %arg7: memref<128xf32, #tpu.memory_space<vmem>>, %arg8: memref<10240xf32, #tpu.memory_space<vmem_shared>>) attributes {dimension_semantics = [#tpu.dimension_semantics<core_parallel>, #tpu.dimension_semantics<subcore_parallel>], iteration_bounds = array<i64: 2, 16>, scalar_prefetch = 0 : i64, scratch_operands = 3 : i64, tpu.core_type = #tpu.core_type<sc_vector_subcore>, window_params = [{transform_indices = #map}, {transform_indices = #map1}, {transform_indices = #map1}, {transform_indices = #map}]} {
    %mul3A = arith.constant 2 : i32
    %mul3A_0 = arith.muli %arg1, %mul3A : i32
    %add3A = arith.addi %mul3A_0, %arg0 : i32
    %mul3A_1 = arith.constant 640 : i32
    %mul3A_2 = arith.muli %arg1, %mul3A_1 : i32
    %mul3A_3 = arith.constant 640 : i32
    %mul3A_4 = arith.muli %arg1, %mul3A_3 : i32
    "tpu.region"() ({
      %run_scoped3A = tpu.sem_alloc : memref<!tpu.dma_semaphore, #tpu.memory_space<semaphore_mem>>
      %dma_start3A = tpu.memref_slice %arg8[%mul3A_4] : memref<10240xf32, #tpu.memory_space<vmem_shared>> -> memref<640xf32, #tpu.memory_space<vmem_shared>>
      %dma_start3A_17 = tpu.memref_slice %arg4[%mul3A_2] : memref<10240xf32, #tpu.memory_space<hbm>> -> memref<640xf32, #tpu.memory_space<hbm>>
      tpu.enqueue_dma source(%dma_start3A_17 : memref<640xf32, #tpu.memory_space<hbm>>) target(%dma_start3A : memref<640xf32, #tpu.memory_space<vmem_shared>>) target_semaphore(%run_scoped3A : memref<!tpu.dma_semaphore, #tpu.memory_space<semaphore_mem>>)
      %dma_wait3A = tpu.memref_slice %arg8[%mul3A_4] : memref<10240xf32, #tpu.memory_space<vmem_shared>> -> memref<640xf32, #tpu.memory_space<vmem_shared>>
      %dma_wait3A_18 = tpu.memref_slice %arg4[%mul3A_2] : memref<10240xf32, #tpu.memory_space<hbm>> -> memref<640xf32, #tpu.memory_space<hbm>>
      tpu.wait_dma2 semaphore(%run_scoped3A : memref<!tpu.dma_semaphore, #tpu.memory_space<semaphore_mem>>) src(%dma_wait3A_18 : memref<640xf32, #tpu.memory_space<hbm>>) dst(%dma_wait3A : memref<640xf32, #tpu.memory_space<vmem_shared>>)
      tpu.yield
    }) : () -> ()
    %mul3A_5 = arith.constant 80 : i32
    %mul3A_6 = arith.muli %add3A, %mul3A_5 : i32
    "tpu.region"() ({
      %run_scoped3A = tpu.sem_alloc : memref<!tpu.dma_semaphore, #tpu.memory_space<semaphore_mem>>
      %dma_start3A = arith.constant 0 : i32
      %dma_start3A_17 = tpu.memref_slice %arg2[%mul3A_6, %dma_start3A] : memref<2560x128xi32, #tpu.memory_space<hbm>> -> memref<80x128xi32, #tpu.memory_space<hbm>>
      %dma_start3A_18 = arith.constant 0 : i32
      %dma_start3A_19 = tpu.memref_slice %arg2[%mul3A_6, %dma_start3A_18] : memref<2560x128xi32, #tpu.memory_space<hbm>> -> memref<80x128xi32, #tpu.memory_space<hbm>>
      tpu.enqueue_dma source(%dma_start3A_19 : memref<80x128xi32, #tpu.memory_space<hbm>>) target(%arg6 : memref<80x128xi32, #tpu.memory_space<vmem>>) target_semaphore(%run_scoped3A : memref<!tpu.dma_semaphore, #tpu.memory_space<semaphore_mem>>)
      %dma_wait3A = arith.constant 0 : i32
      %dma_wait3A_20 = tpu.memref_slice %arg2[%mul3A_6, %dma_wait3A] : memref<2560x128xi32, #tpu.memory_space<hbm>> -> memref<80x128xi32, #tpu.memory_space<hbm>>
      %dma_wait3A_21 = arith.constant 0 : i32
      %dma_wait3A_22 = tpu.memref_slice %arg2[%mul3A_6, %dma_wait3A_21] : memref<2560x128xi32, #tpu.memory_space<hbm>> -> memref<80x128xi32, #tpu.memory_space<hbm>>
      tpu.wait_dma2 semaphore(%run_scoped3A : memref<!tpu.dma_semaphore, #tpu.memory_space<semaphore_mem>>) src(%dma_wait3A_22 : memref<80x128xi32, #tpu.memory_space<hbm>>) dst(%arg6 : memref<80x128xi32, #tpu.memory_space<vmem>>)
      tpu.yield
    }) : () -> ()
    "tpu.region"() ({
      %run_scoped3A = tpu.sem_alloc : memref<!tpu.dma_semaphore, #tpu.memory_space<semaphore_mem>>
      tpu.enqueue_dma source(%arg3 : memref<128xf32, #tpu.memory_space<hbm>>) target(%arg7 : memref<128xf32, #tpu.memory_space<vmem>>) target_semaphore(%run_scoped3A : memref<!tpu.dma_semaphore, #tpu.memory_space<semaphore_mem>>)
      tpu.wait_dma2 semaphore(%run_scoped3A : memref<!tpu.dma_semaphore, #tpu.memory_space<semaphore_mem>>) src(%arg3 : memref<128xf32, #tpu.memory_space<hbm>>) dst(%arg7 : memref<128xf32, #tpu.memory_space<vmem>>)
      tpu.yield
    }) : () -> ()
    %barrier3A = arith.constant 0 : index
    tpu.barrier barrier_id(%barrier3A)
    %scan3A = arith.constant 0 : i32
    %scan3A_7 = arith.constant 0 : i32
    %scan3A_8 = arith.constant 80 : i32
    %scan3A_9 = arith.addi %scan3A_7, %scan3A_8 : i32
    %scan3A_10 = arith.constant 1 : i32
    scf.for %scan3A_17 = %scan3A_7 to %scan3A_9 step %scan3A_10  : i32 {
      "tpu.region"() ({
        %run_scoped3A = tpu.sem_alloc : memref<!tpu.dma_semaphore, #tpu.memory_space<semaphore_mem>>
        %dma_start3A = arith.constant 0 : i32
        %dma_start3A_18 = tpu.memref_slice %arg6[%scan3A_17, %dma_start3A] : memref<80x128xi32, #tpu.memory_space<vmem>> -> memref<1x128xi32, #tpu.memory_space<vmem>>
        %dma_start3A_19 = tpu.memref_squeeze %dma_start3A_18 : memref<1x128xi32, #tpu.memory_space<vmem>> -> memref<128xi32, #tpu.memory_space<vmem>>
        %dma_start3A_20 = arith.constant 0 : i32
        %dma_start3A_21 = tpu.memref_slice %arg8[%dma_start3A_20] : memref<10240xf32, #tpu.memory_space<vmem_shared>> -> memref<10240xf32, #tpu.memory_space<vmem_shared>>
        tpu.enqueue_indirect_dma source(%arg7 : memref<128xf32, #tpu.memory_space<vmem>>) target(%dma_start3A_21 : memref<10240xf32, #tpu.memory_space<vmem_shared>>) offsets(%dma_start3A_19 : memref<128xi32, #tpu.memory_space<vmem>>) semaphore(%run_scoped3A : memref<!tpu.dma_semaphore, #tpu.memory_space<semaphore_mem>>) {add = true}
        %dma_wait3A = arith.constant 0 : i32
        %dma_wait3A_22 = tpu.memref_slice %arg6[%scan3A_17, %dma_wait3A] : memref<80x128xi32, #tpu.memory_space<vmem>> -> memref<1x128xi32, #tpu.memory_space<vmem>>
        %dma_wait3A_23 = tpu.memref_squeeze %dma_wait3A_22 : memref<1x128xi32, #tpu.memory_space<vmem>> -> memref<128xi32, #tpu.memory_space<vmem>>
        %dma_wait3A_24 = arith.constant 0 : i32
        %dma_wait3A_25 = tpu.memref_slice %arg8[%dma_wait3A_24] : memref<10240xf32, #tpu.memory_space<vmem_shared>> -> memref<10240xf32, #tpu.memory_space<vmem_shared>>
        tpu.wait_indirect_dma semaphore(%run_scoped3A : memref<!tpu.dma_semaphore, #tpu.memory_space<semaphore_mem>>) src(%arg7 : memref<128xf32, #tpu.memory_space<vmem>>) dst(%dma_wait3A_25 : memref<10240xf32, #tpu.memory_space<vmem_shared>>)
        tpu.yield
      }) : () -> ()
    }
    %scan3A_11 = arith.constant 80 : i32
    %barrier3A_12 = arith.constant 0 : index
    tpu.barrier barrier_id(%barrier3A_12)
    %mul3A_13 = arith.constant 640 : i32
    %mul3A_14 = arith.muli %arg1, %mul3A_13 : i32
    %mul3A_15 = arith.constant 640 : i32
    %mul3A_16 = arith.muli %arg1, %mul3A_15 : i32
    "tpu.region"() ({
      %run_scoped3A = tpu.sem_alloc : memref<!tpu.dma_semaphore, #tpu.memory_space<semaphore_mem>>
      %dma_start3A = tpu.memref_slice %arg5[%arg0, %mul3A_16] : memref<2x10240xf32, #tpu.memory_space<hbm>> -> memref<1x640xf32, #tpu.memory_space<hbm>>
      %dma_start3A_17 = tpu.memref_squeeze %dma_start3A : memref<1x640xf32, #tpu.memory_space<hbm>> -> memref<640xf32, #tpu.memory_space<hbm>>
      %dma_start3A_18 = tpu.memref_slice %arg8[%mul3A_14] : memref<10240xf32, #tpu.memory_space<vmem_shared>> -> memref<640xf32, #tpu.memory_space<vmem_shared>>
      tpu.enqueue_dma source(%dma_start3A_18 : memref<640xf32, #tpu.memory_space<vmem_shared>>) target(%dma_start3A_17 : memref<640xf32, #tpu.memory_space<hbm>>) target_semaphore(%run_scoped3A : memref<!tpu.dma_semaphore, #tpu.memory_space<semaphore_mem>>)
      %dma_wait3A = tpu.memref_slice %arg5[%arg0, %mul3A_16] : memref<2x10240xf32, #tpu.memory_space<hbm>> -> memref<1x640xf32, #tpu.memory_space<hbm>>
      %dma_wait3A_19 = tpu.memref_squeeze %dma_wait3A : memref<1x640xf32, #tpu.memory_space<hbm>> -> memref<640xf32, #tpu.memory_space<hbm>>
      %dma_wait3A_20 = tpu.memref_slice %arg8[%mul3A_14] : memref<10240xf32, #tpu.memory_space<vmem_shared>> -> memref<640xf32, #tpu.memory_space<vmem_shared>>
      tpu.wait_dma2 semaphore(%run_scoped3A : memref<!tpu.dma_semaphore, #tpu.memory_space<semaphore_mem>>) src(%dma_wait3A_20 : memref<640xf32, #tpu.memory_space<vmem_shared>>) dst(%dma_wait3A_19 : memref<640xf32, #tpu.memory_space<hbm>>)
      tpu.yield
    }) : () -> ()
    return
  }
}

#map = affine_map<(d0, d1) -> (0, 0)>
#map1 = affine_map<(d0, d1) -> (0, 0, 0)>
module attributes {stable_mosaic.version = 14 : i64} {
  func.func @_edge_kernel(%arg0: i32, %arg1: i32, %arg2: memref<10240x128xf32, #tpu.memory_space<hbm>>, %arg3: memref<2560x128xi32, #tpu.memory_space<hbm>>, %arg4: memref<640x128xf32, #tpu.memory_space<hbm>>, %arg5: memref<2x10240x128xf32, #tpu.memory_space<hbm>>, %arg6: memref<80x128xi32, #tpu.memory_space<vmem>>, %arg7: memref<128xi32, #tpu.memory_space<vmem>>, %arg8: memref<128xi32, #tpu.memory_space<vmem>>, %arg9: memref<128xi32, #tpu.memory_space<vmem>>, %arg10: memref<128xi32, #tpu.memory_space<vmem>>, %arg11: memref<128x128xf32, #tpu.memory_space<vmem>>, %arg12: memref<128x128xf32, #tpu.memory_space<vmem>>, %arg13: memref<10240x128xf32, #tpu.memory_space<vmem_shared>>, %arg14: memref<!tpu.dma_semaphore, #tpu.memory_space<semaphore_mem>>, %arg15: memref<!tpu.dma_semaphore, #tpu.memory_space<semaphore_mem>>) attributes {dimension_semantics = [#tpu.dimension_semantics<core_parallel>, #tpu.dimension_semantics<subcore_parallel>], iteration_bounds = array<i64: 2, 16>, scalar_prefetch = 0 : i64, scratch_operands = 10 : i64, tpu.core_type = #tpu.core_type<sc_vector_subcore>, window_params = [{transform_indices = #map}, {transform_indices = #map}, {transform_indices = #map}, {transform_indices = #map1}]} {
    %mul3A = arith.constant 2 : i32
    %mul3A_0 = arith.muli %arg1, %mul3A : i32
    %add3A = arith.addi %mul3A_0, %arg0 : i32
    %mul3A_1 = arith.constant 640 : i32
    %mul3A_2 = arith.muli %arg1, %mul3A_1 : i32
    "tpu.region"() ({
      %run_scoped3A = tpu.sem_alloc : memref<!tpu.dma_semaphore, #tpu.memory_space<semaphore_mem>>
      %dma_start3A_165 = arith.constant 0 : i32
      %dma_start3A_166 = tpu.memref_slice %arg13[%mul3A_2, %dma_start3A_165] : memref<10240x128xf32, #tpu.memory_space<vmem_shared>> -> memref<640x128xf32, #tpu.memory_space<vmem_shared>>
      tpu.enqueue_dma source(%arg4 : memref<640x128xf32, #tpu.memory_space<hbm>>) target(%dma_start3A_166 : memref<640x128xf32, #tpu.memory_space<vmem_shared>>) target_semaphore(%run_scoped3A : memref<!tpu.dma_semaphore, #tpu.memory_space<semaphore_mem>>)
      %dma_wait3A = arith.constant 0 : i32
      %dma_wait3A_167 = tpu.memref_slice %arg13[%mul3A_2, %dma_wait3A] : memref<10240x128xf32, #tpu.memory_space<vmem_shared>> -> memref<640x128xf32, #tpu.memory_space<vmem_shared>>
      tpu.wait_dma2 semaphore(%run_scoped3A : memref<!tpu.dma_semaphore, #tpu.memory_space<semaphore_mem>>) src(%arg4 : memref<640x128xf32, #tpu.memory_space<hbm>>) dst(%dma_wait3A_167 : memref<640x128xf32, #tpu.memory_space<vmem_shared>>)
      tpu.yield
    }) : () -> ()
    %mul3A_3 = arith.constant 80 : i32
    %mul3A_4 = arith.muli %add3A, %mul3A_3 : i32
    "tpu.region"() ({
      %run_scoped3A = tpu.sem_alloc : memref<!tpu.dma_semaphore, #tpu.memory_space<semaphore_mem>>
      %dma_start3A_165 = arith.constant 0 : i32
      %dma_start3A_166 = tpu.memref_slice %arg3[%mul3A_4, %dma_start3A_165] : memref<2560x128xi32, #tpu.memory_space<hbm>> -> memref<80x128xi32, #tpu.memory_space<hbm>>
      %dma_start3A_167 = arith.constant 0 : i32
      %dma_start3A_168 = tpu.memref_slice %arg3[%mul3A_4, %dma_start3A_167] : memref<2560x128xi32, #tpu.memory_space<hbm>> -> memref<80x128xi32, #tpu.memory_space<hbm>>
      tpu.enqueue_dma source(%dma_start3A_168 : memref<80x128xi32, #tpu.memory_space<hbm>>) target(%arg6 : memref<80x128xi32, #tpu.memory_space<vmem>>) target_semaphore(%run_scoped3A : memref<!tpu.dma_semaphore, #tpu.memory_space<semaphore_mem>>)
      %dma_wait3A = arith.constant 0 : i32
      %dma_wait3A_169 = tpu.memref_slice %arg3[%mul3A_4, %dma_wait3A] : memref<2560x128xi32, #tpu.memory_space<hbm>> -> memref<80x128xi32, #tpu.memory_space<hbm>>
      %dma_wait3A_170 = arith.constant 0 : i32
      %dma_wait3A_171 = tpu.memref_slice %arg3[%mul3A_4, %dma_wait3A_170] : memref<2560x128xi32, #tpu.memory_space<hbm>> -> memref<80x128xi32, #tpu.memory_space<hbm>>
      tpu.wait_dma2 semaphore(%run_scoped3A : memref<!tpu.dma_semaphore, #tpu.memory_space<semaphore_mem>>) src(%dma_wait3A_171 : memref<80x128xi32, #tpu.memory_space<hbm>>) dst(%arg6 : memref<80x128xi32, #tpu.memory_space<vmem>>)
      tpu.yield
    }) : () -> ()
    %barrier3A = arith.constant 0 : index
    tpu.barrier barrier_id(%barrier3A)
    %get3A = arith.constant 0 : i32
    %get3A_5 = arith.index_cast %get3A : i32 to index
    %get3A_6 = arith.constant 0 : index
    %get3A_7 = tpu.vector_load %arg6[%get3A_5, %get3A_6] {strides = array<i32>} : memref<80x128xi32, #tpu.memory_space<vmem>>, vector<1x16xi32>,
    %get3A_8 = vector.shape_cast %get3A_7 : vector<1x16xi32> to vector<16xi32>
    %and3A = arith.constant 65535 : i32
    %and3A_9 = vector.broadcast %and3A : i32 to vector<16xi32>
    %and3A_10 = arith.andi %get3A_8, %and3A_9 : vector<16xi32>
    %swap3A = arith.constant 0 : index
    %swap3A_11 = tpu.vector_load %arg7[%swap3A] {strides = array<i32>} : memref<128xi32, #tpu.memory_space<vmem>>, vector<16xi32>,
    %swap3A_12 = vector.shape_cast %swap3A_11 : vector<16xi32> to vector<16xi32>
    %swap3A_13 = vector.shape_cast %and3A_10 : vector<16xi32> to vector<16xi32>
    tpu.vector_store %arg7[%swap3A], %swap3A_13 {strides = array<i32>} : memref<128xi32, #tpu.memory_space<vmem>>, vector<16xi32>,
    %shift_right_logical3A = arith.constant 16 : i32
    %shift_right_logical3A_14 = vector.broadcast %shift_right_logical3A : i32 to vector<16xi32>
    %shift_right_logical3A_15 = arith.shrui %get3A_8, %shift_right_logical3A_14 : vector<16xi32>
    %swap3A_16 = arith.constant 0 : index
    %swap3A_17 = tpu.vector_load %arg9[%swap3A_16] {strides = array<i32>} : memref<128xi32, #tpu.memory_space<vmem>>, vector<16xi32>,
    %swap3A_18 = vector.shape_cast %swap3A_17 : vector<16xi32> to vector<16xi32>
    %swap3A_19 = vector.shape_cast %shift_right_logical3A_15 : vector<16xi32> to vector<16xi32>
    tpu.vector_store %arg9[%swap3A_16], %swap3A_19 {strides = array<i32>} : memref<128xi32, #tpu.memory_space<vmem>>, vector<16xi32>,
    %get3A_20 = arith.constant 0 : i32
    %get3A_21 = arith.index_cast %get3A_20 : i32 to index
    %get3A_22 = arith.constant 16 : index
    %get3A_23 = tpu.vector_load %arg6[%get3A_21, %get3A_22] {strides = array<i32>} : memref<80x128xi32, #tpu.memory_space<vmem>>, vector<1x16xi32>,
    %get3A_24 = vector.shape_cast %get3A_23 : vector<1x16xi32> to vector<16xi32>
    %and3A_25 = arith.constant 65535 : i32
    %and3A_26 = vector.broadcast %and3A_25 : i32 to vector<16xi32>
    %and3A_27 = arith.andi %get3A_24, %and3A_26 : vector<16xi32>
    %swap3A_28 = arith.constant 16 : index
    %swap3A_29 = tpu.vector_load %arg7[%swap3A_28] {strides = array<i32>} : memref<128xi32, #tpu.memory_space<vmem>>, vector<16xi32>,
    %swap3A_30 = vector.shape_cast %swap3A_29 : vector<16xi32> to vector<16xi32>
    %swap3A_31 = vector.shape_cast %and3A_27 : vector<16xi32> to vector<16xi32>
    tpu.vector_store %arg7[%swap3A_28], %swap3A_31 {strides = array<i32>} : memref<128xi32, #tpu.memory_space<vmem>>, vector<16xi32>,
    %shift_right_logical3A_32 = arith.constant 16 : i32
    %shift_right_logical3A_33 = vector.broadcast %shift_right_logical3A_32 : i32 to vector<16xi32>
    %shift_right_logical3A_34 = arith.shrui %get3A_24, %shift_right_logical3A_33 : vector<16xi32>
    %swap3A_35 = arith.constant 16 : index
    %swap3A_36 = tpu.vector_load %arg9[%swap3A_35] {strides = array<i32>} : memref<128xi32, #tpu.memory_space<vmem>>, vector<16xi32>,
    %swap3A_37 = vector.shape_cast %swap3A_36 : vector<16xi32> to vector<16xi32>
    %swap3A_38 = vector.shape_cast %shift_right_logical3A_34 : vector<16xi32> to vector<16xi32>
    tpu.vector_store %arg9[%swap3A_35], %swap3A_38 {strides = array<i32>} : memref<128xi32, #tpu.memory_space<vmem>>, vector<16xi32>,
    %get3A_39 = arith.constant 0 : i32
    %get3A_40 = arith.index_cast %get3A_39 : i32 to index
    %get3A_41 = arith.constant 32 : index
    %get3A_42 = tpu.vector_load %arg6[%get3A_40, %get3A_41] {strides = array<i32>} : memref<80x128xi32, #tpu.memory_space<vmem>>, vector<1x16xi32>,
    %get3A_43 = vector.shape_cast %get3A_42 : vector<1x16xi32> to vector<16xi32>
    %and3A_44 = arith.constant 65535 : i32
    %and3A_45 = vector.broadcast %and3A_44 : i32 to vector<16xi32>
    %and3A_46 = arith.andi %get3A_43, %and3A_45 : vector<16xi32>
    %swap3A_47 = arith.constant 32 : index
    %swap3A_48 = tpu.vector_load %arg7[%swap3A_47] {strides = array<i32>} : memref<128xi32, #tpu.memory_space<vmem>>, vector<16xi32>,
    %swap3A_49 = vector.shape_cast %swap3A_48 : vector<16xi32> to vector<16xi32>
    %swap3A_50 = vector.shape_cast %and3A_46 : vector<16xi32> to vector<16xi32>
    tpu.vector_store %arg7[%swap3A_47], %swap3A_50 {strides = array<i32>} : memref<128xi32, #tpu.memory_space<vmem>>, vector<16xi32>,
    %shift_right_logical3A_51 = arith.constant 16 : i32
    %shift_right_logical3A_52 = vector.broadcast %shift_right_logical3A_51 : i32 to vector<16xi32>
    %shift_right_logical3A_53 = arith.shrui %get3A_43, %shift_right_logical3A_52 : vector<16xi32>
    %swap3A_54 = arith.constant 32 : index
    %swap3A_55 = tpu.vector_load %arg9[%swap3A_54] {strides = array<i32>} : memref<128xi32, #tpu.memory_space<vmem>>, vector<16xi32>,
    %swap3A_56 = vector.shape_cast %swap3A_55 : vector<16xi32> to vector<16xi32>
    %swap3A_57 = vector.shape_cast %shift_right_logical3A_53 : vector<16xi32> to vector<16xi32>
    tpu.vector_store %arg9[%swap3A_54], %swap3A_57 {strides = array<i32>} : memref<128xi32, #tpu.memory_space<vmem>>, vector<16xi32>,
    %get3A_58 = arith.constant 0 : i32
    %get3A_59 = arith.index_cast %get3A_58 : i32 to index
    %get3A_60 = arith.constant 48 : index
    %get3A_61 = tpu.vector_load %arg6[%get3A_59, %get3A_60] {strides = array<i32>} : memref<80x128xi32, #tpu.memory_space<vmem>>, vector<1x16xi32>,
    %get3A_62 = vector.shape_cast %get3A_61 : vector<1x16xi32> to vector<16xi32>
    %and3A_63 = arith.constant 65535 : i32
    %and3A_64 = vector.broadcast %and3A_63 : i32 to vector<16xi32>
    %and3A_65 = arith.andi %get3A_62, %and3A_64 : vector<16xi32>
    %swap3A_66 = arith.constant 48 : index
    %swap3A_67 = tpu.vector_load %arg7[%swap3A_66] {strides = array<i32>} : memref<128xi32, #tpu.memory_space<vmem>>, vector<16xi32>,
    %swap3A_68 = vector.shape_cast %swap3A_67 : vector<16xi32> to vector<16xi32>
    %swap3A_69 = vector.shape_cast %and3A_65 : vector<16xi32> to vector<16xi32>
    tpu.vector_store %arg7[%swap3A_66], %swap3A_69 {strides = array<i32>} : memref<128xi32, #tpu.memory_space<vmem>>, vector<16xi32>,
    %shift_right_logical3A_70 = arith.constant 16 : i32
    %shift_right_logical3A_71 = vector.broadcast %shift_right_logical3A_70 : i32 to vector<16xi32>
    %shift_right_logical3A_72 = arith.shrui %get3A_62, %shift_right_logical3A_71 : vector<16xi32>
    %swap3A_73 = arith.constant 48 : index
    %swap3A_74 = tpu.vector_load %arg9[%swap3A_73] {strides = array<i32>} : memref<128xi32, #tpu.memory_space<vmem>>, vector<16xi32>,
    %swap3A_75 = vector.shape_cast %swap3A_74 : vector<16xi32> to vector<16xi32>
    %swap3A_76 = vector.shape_cast %shift_right_logical3A_72 : vector<16xi32> to vector<16xi32>
    tpu.vector_store %arg9[%swap3A_73], %swap3A_76 {strides = array<i32>} : memref<128xi32, #tpu.memory_space<vmem>>, vector<16xi32>,
    %get3A_77 = arith.constant 0 : i32
    %get3A_78 = arith.index_cast %get3A_77 : i32 to index
    %get3A_79 = arith.constant 64 : index
    %get3A_80 = tpu.vector_load %arg6[%get3A_78, %get3A_79] {strides = array<i32>} : memref<80x128xi32, #tpu.memory_space<vmem>>, vector<1x16xi32>,
    %get3A_81 = vector.shape_cast %get3A_80 : vector<1x16xi32> to vector<16xi32>
    %and3A_82 = arith.constant 65535 : i32
    %and3A_83 = vector.broadcast %and3A_82 : i32 to vector<16xi32>
    %and3A_84 = arith.andi %get3A_81, %and3A_83 : vector<16xi32>
    %swap3A_85 = arith.constant 64 : index
    %swap3A_86 = tpu.vector_load %arg7[%swap3A_85] {strides = array<i32>} : memref<128xi32, #tpu.memory_space<vmem>>, vector<16xi32>,
    %swap3A_87 = vector.shape_cast %swap3A_86 : vector<16xi32> to vector<16xi32>
    %swap3A_88 = vector.shape_cast %and3A_84 : vector<16xi32> to vector<16xi32>
    tpu.vector_store %arg7[%swap3A_85], %swap3A_88 {strides = array<i32>} : memref<128xi32, #tpu.memory_space<vmem>>, vector<16xi32>,
    %shift_right_logical3A_89 = arith.constant 16 : i32
    %shift_right_logical3A_90 = vector.broadcast %shift_right_logical3A_89 : i32 to vector<16xi32>
    %shift_right_logical3A_91 = arith.shrui %get3A_81, %shift_right_logical3A_90 : vector<16xi32>
    %swap3A_92 = arith.constant 64 : index
    %swap3A_93 = tpu.vector_load %arg9[%swap3A_92] {strides = array<i32>} : memref<128xi32, #tpu.memory_space<vmem>>, vector<16xi32>,
    %swap3A_94 = vector.shape_cast %swap3A_93 : vector<16xi32> to vector<16xi32>
    %swap3A_95 = vector.shape_cast %shift_right_logical3A_91 : vector<16xi32> to vector<16xi32>
    tpu.vector_store %arg9[%swap3A_92], %swap3A_95 {strides = array<i32>} : memref<128xi32, #tpu.memory_space<vmem>>, vector<16xi32>,
    %get3A_96 = arith.constant 0 : i32
    %get3A_97 = arith.index_cast %get3A_96 : i32 to index
    %get3A_98 = arith.constant 80 : index
    %get3A_99 = tpu.vector_load %arg6[%get3A_97, %get3A_98] {strides = array<i32>} : memref<80x128xi32, #tpu.memory_space<vmem>>, vector<1x16xi32>,
    %get3A_100 = vector.shape_cast %get3A_99 : vector<1x16xi32> to vector<16xi32>
    %and3A_101 = arith.constant 65535 : i32
    %and3A_102 = vector.broadcast %and3A_101 : i32 to vector<16xi32>
    %and3A_103 = arith.andi %get3A_100, %and3A_102 : vector<16xi32>
    %swap3A_104 = arith.constant 80 : index
    %swap3A_105 = tpu.vector_load %arg7[%swap3A_104] {strides = array<i32>} : memref<128xi32, #tpu.memory_space<vmem>>, vector<16xi32>,
    %swap3A_106 = vector.shape_cast %swap3A_105 : vector<16xi32> to vector<16xi32>
    %swap3A_107 = vector.shape_cast %and3A_103 : vector<16xi32> to vector<16xi32>
    tpu.vector_store %arg7[%swap3A_104], %swap3A_107 {strides = array<i32>} : memref<128xi32, #tpu.memory_space<vmem>>, vector<16xi32>,
    %shift_right_logical3A_108 = arith.constant 16 : i32
    %shift_right_logical3A_109 = vector.broadcast %shift_right_logical3A_108 : i32 to vector<16xi32>
    %shift_right_logical3A_110 = arith.shrui %get3A_100, %shift_right_logical3A_109 : vector<16xi32>
    %swap3A_111 = arith.constant 80 : index
    %swap3A_112 = tpu.vector_load %arg9[%swap3A_111] {strides = array<i32>} : memref<128xi32, #tpu.memory_space<vmem>>, vector<16xi32>,
    %swap3A_113 = vector.shape_cast %swap3A_112 : vector<16xi32> to vector<16xi32>
    %swap3A_114 = vector.shape_cast %shift_right_logical3A_110 : vector<16xi32> to vector<16xi32>
    tpu.vector_store %arg9[%swap3A_111], %swap3A_114 {strides = array<i32>} : memref<128xi32, #tpu.memory_space<vmem>>, vector<16xi32>,
    %get3A_115 = arith.constant 0 : i32
    %get3A_116 = arith.index_cast %get3A_115 : i32 to index
    %get3A_117 = arith.constant 96 : index
    %get3A_118 = tpu.vector_load %arg6[%get3A_116, %get3A_117] {strides = array<i32>} : memref<80x128xi32, #tpu.memory_space<vmem>>, vector<1x16xi32>,
    %get3A_119 = vector.shape_cast %get3A_118 : vector<1x16xi32> to vector<16xi32>
    %and3A_120 = arith.constant 65535 : i32
    %and3A_121 = vector.broadcast %and3A_120 : i32 to vector<16xi32>
    %and3A_122 = arith.andi %get3A_119, %and3A_121 : vector<16xi32>
    %swap3A_123 = arith.constant 96 : index
    %swap3A_124 = tpu.vector_load %arg7[%swap3A_123] {strides = array<i32>} : memref<128xi32, #tpu.memory_space<vmem>>, vector<16xi32>,
    %swap3A_125 = vector.shape_cast %swap3A_124 : vector<16xi32> to vector<16xi32>
    %swap3A_126 = vector.shape_cast %and3A_122 : vector<16xi32> to vector<16xi32>
    tpu.vector_store %arg7[%swap3A_123], %swap3A_126 {strides = array<i32>} : memref<128xi32, #tpu.memory_space<vmem>>, vector<16xi32>,
    %shift_right_logical3A_127 = arith.constant 16 : i32
    %shift_right_logical3A_128 = vector.broadcast %shift_right_logical3A_127 : i32 to vector<16xi32>
    %shift_right_logical3A_129 = arith.shrui %get3A_119, %shift_right_logical3A_128 : vector<16xi32>
    %swap3A_130 = arith.constant 96 : index
    %swap3A_131 = tpu.vector_load %arg9[%swap3A_130] {strides = array<i32>} : memref<128xi32, #tpu.memory_space<vmem>>, vector<16xi32>,
    %swap3A_132 = vector.shape_cast %swap3A_131 : vector<16xi32> to vector<16xi32>
    %swap3A_133 = vector.shape_cast %shift_right_logical3A_129 : vector<16xi32> to vector<16xi32>
    tpu.vector_store %arg9[%swap3A_130], %swap3A_133 {strides = array<i32>} : memref<128xi32, #tpu.memory_space<vmem>>, vector<16xi32>,
    %get3A_134 = arith.constant 0 : i32
    %get3A_135 = arith.index_cast %get3A_134 : i32 to index
    %get3A_136 = arith.constant 112 : index
    %get3A_137 = tpu.vector_load %arg6[%get3A_135, %get3A_136] {strides = array<i32>} : memref<80x128xi32, #tpu.memory_space<vmem>>, vector<1x16xi32>,
    %get3A_138 = vector.shape_cast %get3A_137 : vector<1x16xi32> to vector<16xi32>
    %and3A_139 = arith.constant 65535 : i32
    %and3A_140 = vector.broadcast %and3A_139 : i32 to vector<16xi32>
    %and3A_141 = arith.andi %get3A_138, %and3A_140 : vector<16xi32>
    %swap3A_142 = arith.constant 112 : index
    %swap3A_143 = tpu.vector_load %arg7[%swap3A_142] {strides = array<i32>} : memref<128xi32, #tpu.memory_space<vmem>>, vector<16xi32>,
    %swap3A_144 = vector.shape_cast %swap3A_143 : vector<16xi32> to vector<16xi32>
    %swap3A_145 = vector.shape_cast %and3A_141 : vector<16xi32> to vector<16xi32>
    tpu.vector_store %arg7[%swap3A_142], %swap3A_145 {strides = array<i32>} : memref<128xi32, #tpu.memory_space<vmem>>, vector<16xi32>,
    %shift_right_logical3A_146 = arith.constant 16 : i32
    %shift_right_logical3A_147 = vector.broadcast %shift_right_logical3A_146 : i32 to vector<16xi32>
    %shift_right_logical3A_148 = arith.shrui %get3A_138, %shift_right_logical3A_147 : vector<16xi32>
    %swap3A_149 = arith.constant 112 : index
    %swap3A_150 = tpu.vector_load %arg9[%swap3A_149] {strides = array<i32>} : memref<128xi32, #tpu.memory_space<vmem>>, vector<16xi32>,
    %swap3A_151 = vector.shape_cast %swap3A_150 : vector<16xi32> to vector<16xi32>
    %swap3A_152 = vector.shape_cast %shift_right_logical3A_148 : vector<16xi32> to vector<16xi32>
    tpu.vector_store %arg9[%swap3A_149], %swap3A_152 {strides = array<i32>} : memref<128xi32, #tpu.memory_space<vmem>>, vector<16xi32>,
    %dma_start3A = arith.constant 0 : i32
    %dma_start3A_153 = arith.constant 0 : i32
    %dma_start3A_154 = tpu.memref_slice %arg2[%dma_start3A, %dma_start3A_153] : memref<10240x128xf32, #tpu.memory_space<hbm>> -> memref<10240x128xf32, #tpu.memory_space<hbm>>
    tpu.enqueue_indirect_dma source(%dma_start3A_154 : memref<10240x128xf32, #tpu.memory_space<hbm>>) target(%arg11 : memref<128x128xf32, #tpu.memory_space<vmem>>) offsets(%arg7 : memref<128xi32, #tpu.memory_space<vmem>>) semaphore(%arg14 : memref<!tpu.dma_semaphore, #tpu.memory_space<semaphore_mem>>)
    %scan3A = arith.constant 0 : i32
    %scan3A_155 = arith.constant 0 : i32
    %scan3A_156 = arith.constant 40 : i32
    %scan3A_157 = arith.addi %scan3A_155, %scan3A_156 : i32
    %scan3A_158 = arith.constant 1 : i32
    scf.for %scan3A_165 = %scan3A_155 to %scan3A_157 step %scan3A_158  : i32 {
      %mul3A_166 = arith.constant 2 : i32
      %mul3A_167 = arith.muli %mul3A_166, %scan3A_165 : i32
      %add3A_168 = arith.constant 1 : i32
      %add3A_169 = arith.addi %mul3A_167, %add3A_168 : i32
      %get3A_170 = arith.index_cast %add3A_169 : i32 to index
      %get3A_171 = arith.constant 0 : index
      %get3A_172 = tpu.vector_load %arg6[%get3A_170, %get3A_171] {strides = array<i32>} : memref<80x128xi32, #tpu.memory_space<vmem>>, vector<1x16xi32>,
      %get3A_173 = vector.shape_cast %get3A_172 : vector<1x16xi32> to vector<16xi32>
      %and3A_174 = arith.constant 65535 : i32
      %and3A_175 = vector.broadcast %and3A_174 : i32 to vector<16xi32>
      %and3A_176 = arith.andi %get3A_173, %and3A_175 : vector<16xi32>
      %swap3A_177 = arith.constant 0 : index
      %swap3A_178 = tpu.vector_load %arg8[%swap3A_177] {strides = array<i32>} : memref<128xi32, #tpu.memory_space<vmem>>, vector<16xi32>,
      %swap3A_179 = vector.shape_cast %swap3A_178 : vector<16xi32> to vector<16xi32>
      %swap3A_180 = vector.shape_cast %and3A_176 : vector<16xi32> to vector<16xi32>
      tpu.vector_store %arg8[%swap3A_177], %swap3A_180 {strides = array<i32>} : memref<128xi32, #tpu.memory_space<vmem>>, vector<16xi32>,
      %shift_right_logical3A_181 = arith.constant 16 : i32
      %shift_right_logical3A_182 = vector.broadcast %shift_right_logical3A_181 : i32 to vector<16xi32>
      %shift_right_logical3A_183 = arith.shrui %get3A_173, %shift_right_logical3A_182 : vector<16xi32>
      %swap3A_184 = arith.constant 0 : index
      %swap3A_185 = tpu.vector_load %arg10[%swap3A_184] {strides = array<i32>} : memref<128xi32, #tpu.memory_space<vmem>>, vector<16xi32>,
      %swap3A_186 = vector.shape_cast %swap3A_185 : vector<16xi32> to vector<16xi32>
      %swap3A_187 = vector.shape_cast %shift_right_logical3A_183 : vector<16xi32> to vector<16xi32>
      tpu.vector_store %arg10[%swap3A_184], %swap3A_187 {strides = array<i32>} : memref<128xi32, #tpu.memory_space<vmem>>, vector<16xi32>,
      %get3A_188 = arith.index_cast %add3A_169 : i32 to index
      %get3A_189 = arith.constant 16 : index
      %get3A_190 = tpu.vector_load %arg6[%get3A_188, %get3A_189] {strides = array<i32>} : memref<80x128xi32, #tpu.memory_space<vmem>>, vector<1x16xi32>,
      %get3A_191 = vector.shape_cast %get3A_190 : vector<1x16xi32> to vector<16xi32>
      %and3A_192 = arith.constant 65535 : i32
      %and3A_193 = vector.broadcast %and3A_192 : i32 to vector<16xi32>
      %and3A_194 = arith.andi %get3A_191, %and3A_193 : vector<16xi32>
      %swap3A_195 = arith.constant 16 : index
      %swap3A_196 = tpu.vector_load %arg8[%swap3A_195] {strides = array<i32>} : memref<128xi32, #tpu.memory_space<vmem>>, vector<16xi32>,
      %swap3A_197 = vector.shape_cast %swap3A_196 : vector<16xi32> to vector<16xi32>
      %swap3A_198 = vector.shape_cast %and3A_194 : vector<16xi32> to vector<16xi32>
      tpu.vector_store %arg8[%swap3A_195], %swap3A_198 {strides = array<i32>} : memref<128xi32, #tpu.memory_space<vmem>>, vector<16xi32>,
      %shift_right_logical3A_199 = arith.constant 16 : i32
      %shift_right_logical3A_200 = vector.broadcast %shift_right_logical3A_199 : i32 to vector<16xi32>
      %shift_right_logical3A_201 = arith.shrui %get3A_191, %shift_right_logical3A_200 : vector<16xi32>
      %swap3A_202 = arith.constant 16 : index
      %swap3A_203 = tpu.vector_load %arg10[%swap3A_202] {strides = array<i32>} : memref<128xi32, #tpu.memory_space<vmem>>, vector<16xi32>,
      %swap3A_204 = vector.shape_cast %swap3A_203 : vector<16xi32> to vector<16xi32>
      %swap3A_205 = vector.shape_cast %shift_right_logical3A_201 : vector<16xi32> to vector<16xi32>
      tpu.vector_store %arg10[%swap3A_202], %swap3A_205 {strides = array<i32>} : memref<128xi32, #tpu.memory_space<vmem>>, vector<16xi32>,
      %get3A_206 = arith.index_cast %add3A_169 : i32 to index
      %get3A_207 = arith.constant 32 : index
      %get3A_208 = tpu.vector_load %arg6[%get3A_206, %get3A_207] {strides = array<i32>} : memref<80x128xi32, #tpu.memory_space<vmem>>, vector<1x16xi32>,
      %get3A_209 = vector.shape_cast %get3A_208 : vector<1x16xi32> to vector<16xi32>
      %and3A_210 = arith.constant 65535 : i32
      %and3A_211 = vector.broadcast %and3A_210 : i32 to vector<16xi32>
      %and3A_212 = arith.andi %get3A_209, %and3A_211 : vector<16xi32>
      %swap3A_213 = arith.constant 32 : index
      %swap3A_214 = tpu.vector_load %arg8[%swap3A_213] {strides = array<i32>} : memref<128xi32, #tpu.memory_space<vmem>>, vector<16xi32>,
      %swap3A_215 = vector.shape_cast %swap3A_214 : vector<16xi32> to vector<16xi32>
      %swap3A_216 = vector.shape_cast %and3A_212 : vector<16xi32> to vector<16xi32>
      tpu.vector_store %arg8[%swap3A_213], %swap3A_216 {strides = array<i32>} : memref<128xi32, #tpu.memory_space<vmem>>, vector<16xi32>,
      %shift_right_logical3A_217 = arith.constant 16 : i32
      %shift_right_logical3A_218 = vector.broadcast %shift_right_logical3A_217 : i32 to vector<16xi32>
      %shift_right_logical3A_219 = arith.shrui %get3A_209, %shift_right_logical3A_218 : vector<16xi32>
      %swap3A_220 = arith.constant 32 : index
      %swap3A_221 = tpu.vector_load %arg10[%swap3A_220] {strides = array<i32>} : memref<128xi32, #tpu.memory_space<vmem>>, vector<16xi32>,
      %swap3A_222 = vector.shape_cast %swap3A_221 : vector<16xi32> to vector<16xi32>
      %swap3A_223 = vector.shape_cast %shift_right_logical3A_219 : vector<16xi32> to vector<16xi32>
      tpu.vector_store %arg10[%swap3A_220], %swap3A_223 {strides = array<i32>} : memref<128xi32, #tpu.memory_space<vmem>>, vector<16xi32>,
      %get3A_224 = arith.index_cast %add3A_169 : i32 to index
      %get3A_225 = arith.constant 48 : index
      %get3A_226 = tpu.vector_load %arg6[%get3A_224, %get3A_225] {strides = array<i32>} : memref<80x128xi32, #tpu.memory_space<vmem>>, vector<1x16xi32>,
      %get3A_227 = vector.shape_cast %get3A_226 : vector<1x16xi32> to vector<16xi32>
      %and3A_228 = arith.constant 65535 : i32
      %and3A_229 = vector.broadcast %and3A_228 : i32 to vector<16xi32>
      %and3A_230 = arith.andi %get3A_227, %and3A_229 : vector<16xi32>
      %swap3A_231 = arith.constant 48 : index
      %swap3A_232 = tpu.vector_load %arg8[%swap3A_231] {strides = array<i32>} : memref<128xi32, #tpu.memory_space<vmem>>, vector<16xi32>,
      %swap3A_233 = vector.shape_cast %swap3A_232 : vector<16xi32> to vector<16xi32>
      %swap3A_234 = vector.shape_cast %and3A_230 : vector<16xi32> to vector<16xi32>
      tpu.vector_store %arg8[%swap3A_231], %swap3A_234 {strides = array<i32>} : memref<128xi32, #tpu.memory_space<vmem>>, vector<16xi32>,
      %shift_right_logical3A_235 = arith.constant 16 : i32
      %shift_right_logical3A_236 = vector.broadcast %shift_right_logical3A_235 : i32 to vector<16xi32>
      %shift_right_logical3A_237 = arith.shrui %get3A_227, %shift_right_logical3A_236 : vector<16xi32>
      %swap3A_238 = arith.constant 48 : index
      %swap3A_239 = tpu.vector_load %arg10[%swap3A_238] {strides = array<i32>} : memref<128xi32, #tpu.memory_space<vmem>>, vector<16xi32>,
      %swap3A_240 = vector.shape_cast %swap3A_239 : vector<16xi32> to vector<16xi32>
      %swap3A_241 = vector.shape_cast %shift_right_logical3A_237 : vector<16xi32> to vector<16xi32>
      tpu.vector_store %arg10[%swap3A_238], %swap3A_241 {strides = array<i32>} : memref<128xi32, #tpu.memory_space<vmem>>, vector<16xi32>,
      %get3A_242 = arith.index_cast %add3A_169 : i32 to index
      %get3A_243 = arith.constant 64 : index
      %get3A_244 = tpu.vector_load %arg6[%get3A_242, %get3A_243] {strides = array<i32>} : memref<80x128xi32, #tpu.memory_space<vmem>>, vector<1x16xi32>,
      %get3A_245 = vector.shape_cast %get3A_244 : vector<1x16xi32> to vector<16xi32>
      %and3A_246 = arith.constant 65535 : i32
      %and3A_247 = vector.broadcast %and3A_246 : i32 to vector<16xi32>
      %and3A_248 = arith.andi %get3A_245, %and3A_247 : vector<16xi32>
      %swap3A_249 = arith.constant 64 : index
      %swap3A_250 = tpu.vector_load %arg8[%swap3A_249] {strides = array<i32>} : memref<128xi32, #tpu.memory_space<vmem>>, vector<16xi32>,
      %swap3A_251 = vector.shape_cast %swap3A_250 : vector<16xi32> to vector<16xi32>
      %swap3A_252 = vector.shape_cast %and3A_248 : vector<16xi32> to vector<16xi32>
      tpu.vector_store %arg8[%swap3A_249], %swap3A_252 {strides = array<i32>} : memref<128xi32, #tpu.memory_space<vmem>>, vector<16xi32>,
      %shift_right_logical3A_253 = arith.constant 16 : i32
      %shift_right_logical3A_254 = vector.broadcast %shift_right_logical3A_253 : i32 to vector<16xi32>
      %shift_right_logical3A_255 = arith.shrui %get3A_245, %shift_right_logical3A_254 : vector<16xi32>
      %swap3A_256 = arith.constant 64 : index
      %swap3A_257 = tpu.vector_load %arg10[%swap3A_256] {strides = array<i32>} : memref<128xi32, #tpu.memory_space<vmem>>, vector<16xi32>,
      %swap3A_258 = vector.shape_cast %swap3A_257 : vector<16xi32> to vector<16xi32>
      %swap3A_259 = vector.shape_cast %shift_right_logical3A_255 : vector<16xi32> to vector<16xi32>
      tpu.vector_store %arg10[%swap3A_256], %swap3A_259 {strides = array<i32>} : memref<128xi32, #tpu.memory_space<vmem>>, vector<16xi32>,
      %get3A_260 = arith.index_cast %add3A_169 : i32 to index
      %get3A_261 = arith.constant 80 : index
      %get3A_262 = tpu.vector_load %arg6[%get3A_260, %get3A_261] {strides = array<i32>} : memref<80x128xi32, #tpu.memory_space<vmem>>, vector<1x16xi32>,
      %get3A_263 = vector.shape_cast %get3A_262 : vector<1x16xi32> to vector<16xi32>
      %and3A_264 = arith.constant 65535 : i32
      %and3A_265 = vector.broadcast %and3A_264 : i32 to vector<16xi32>
      %and3A_266 = arith.andi %get3A_263, %and3A_265 : vector<16xi32>
      %swap3A_267 = arith.constant 80 : index
      %swap3A_268 = tpu.vector_load %arg8[%swap3A_267] {strides = array<i32>} : memref<128xi32, #tpu.memory_space<vmem>>, vector<16xi32>,
      %swap3A_269 = vector.shape_cast %swap3A_268 : vector<16xi32> to vector<16xi32>
      %swap3A_270 = vector.shape_cast %and3A_266 : vector<16xi32> to vector<16xi32>
      tpu.vector_store %arg8[%swap3A_267], %swap3A_270 {strides = array<i32>} : memref<128xi32, #tpu.memory_space<vmem>>, vector<16xi32>,
      %shift_right_logical3A_271 = arith.constant 16 : i32
      %shift_right_logical3A_272 = vector.broadcast %shift_right_logical3A_271 : i32 to vector<16xi32>
      %shift_right_logical3A_273 = arith.shrui %get3A_263, %shift_right_logical3A_272 : vector<16xi32>
      %swap3A_274 = arith.constant 80 : index
      %swap3A_275 = tpu.vector_load %arg10[%swap3A_274] {strides = array<i32>} : memref<128xi32, #tpu.memory_space<vmem>>, vector<16xi32>,
      %swap3A_276 = vector.shape_cast %swap3A_275 : vector<16xi32> to vector<16xi32>
      %swap3A_277 = vector.shape_cast %shift_right_logical3A_273 : vector<16xi32> to vector<16xi32>
      tpu.vector_store %arg10[%swap3A_274], %swap3A_277 {strides = array<i32>} : memref<128xi32, #tpu.memory_space<vmem>>, vector<16xi32>,
      %get3A_278 = arith.index_cast %add3A_169 : i32 to index
      %get3A_279 = arith.constant 96 : index
      %get3A_280 = tpu.vector_load %arg6[%get3A_278, %get3A_279] {strides = array<i32>} : memref<80x128xi32, #tpu.memory_space<vmem>>, vector<1x16xi32>,
      %get3A_281 = vector.shape_cast %get3A_280 : vector<1x16xi32> to vector<16xi32>
      %and3A_282 = arith.constant 65535 : i32
      %and3A_283 = vector.broadcast %and3A_282 : i32 to vector<16xi32>
      %and3A_284 = arith.andi %get3A_281, %and3A_283 : vector<16xi32>
      %swap3A_285 = arith.constant 96 : index
      %swap3A_286 = tpu.vector_load %arg8[%swap3A_285] {strides = array<i32>} : memref<128xi32, #tpu.memory_space<vmem>>, vector<16xi32>,
      %swap3A_287 = vector.shape_cast %swap3A_286 : vector<16xi32> to vector<16xi32>
      %swap3A_288 = vector.shape_cast %and3A_284 : vector<16xi32> to vector<16xi32>
      tpu.vector_store %arg8[%swap3A_285], %swap3A_288 {strides = array<i32>} : memref<128xi32, #tpu.memory_space<vmem>>, vector<16xi32>,
      %shift_right_logical3A_289 = arith.constant 16 : i32
      %shift_right_logical3A_290 = vector.broadcast %shift_right_logical3A_289 : i32 to vector<16xi32>
      %shift_right_logical3A_291 = arith.shrui %get3A_281, %shift_right_logical3A_290 : vector<16xi32>
      %swap3A_292 = arith.constant 96 : index
      %swap3A_293 = tpu.vector_load %arg10[%swap3A_292] {strides = array<i32>} : memref<128xi32, #tpu.memory_space<vmem>>, vector<16xi32>,
      %swap3A_294 = vector.shape_cast %swap3A_293 : vector<16xi32> to vector<16xi32>
      %swap3A_295 = vector.shape_cast %shift_right_logical3A_291 : vector<16xi32> to vector<16xi32>
      tpu.vector_store %arg10[%swap3A_292], %swap3A_295 {strides = array<i32>} : memref<128xi32, #tpu.memory_space<vmem>>, vector<16xi32>,
      %get3A_296 = arith.index_cast %add3A_169 : i32 to index
      %get3A_297 = arith.constant 112 : index
      %get3A_298 = tpu.vector_load %arg6[%get3A_296, %get3A_297] {strides = array<i32>} : memref<80x128xi32, #tpu.memory_space<vmem>>, vector<1x16xi32>,
      %get3A_299 = vector.shape_cast %get3A_298 : vector<1x16xi32> to vector<16xi32>
      %and3A_300 = arith.constant 65535 : i32
      %and3A_301 = vector.broadcast %and3A_300 : i32 to vector<16xi32>
      %and3A_302 = arith.andi %get3A_299, %and3A_301 : vector<16xi32>
      %swap3A_303 = arith.constant 112 : index
      %swap3A_304 = tpu.vector_load %arg8[%swap3A_303] {strides = array<i32>} : memref<128xi32, #tpu.memory_space<vmem>>, vector<16xi32>,
      %swap3A_305 = vector.shape_cast %swap3A_304 : vector<16xi32> to vector<16xi32>
      %swap3A_306 = vector.shape_cast %and3A_302 : vector<16xi32> to vector<16xi32>
      tpu.vector_store %arg8[%swap3A_303], %swap3A_306 {strides = array<i32>} : memref<128xi32, #tpu.memory_space<vmem>>, vector<16xi32>,
      %shift_right_logical3A_307 = arith.constant 16 : i32
      %shift_right_logical3A_308 = vector.broadcast %shift_right_logical3A_307 : i32 to vector<16xi32>
      %shift_right_logical3A_309 = arith.shrui %get3A_299, %shift_right_logical3A_308 : vector<16xi32>
      %swap3A_310 = arith.constant 112 : index
      %swap3A_311 = tpu.vector_load %arg10[%swap3A_310] {strides = array<i32>} : memref<128xi32, #tpu.memory_space<vmem>>, vector<16xi32>,
      %swap3A_312 = vector.shape_cast %swap3A_311 : vector<16xi32> to vector<16xi32>
      %swap3A_313 = vector.shape_cast %shift_right_logical3A_309 : vector<16xi32> to vector<16xi32>
      tpu.vector_store %arg10[%swap3A_310], %swap3A_313 {strides = array<i32>} : memref<128xi32, #tpu.memory_space<vmem>>, vector<16xi32>,
      %dma_start3A_314 = arith.constant 0 : i32
      %dma_start3A_315 = arith.constant 0 : i32
      %dma_start3A_316 = tpu.memref_slice %arg2[%dma_start3A_314, %dma_start3A_315] : memref<10240x128xf32, #tpu.memory_space<hbm>> -> memref<10240x128xf32, #tpu.memory_space<hbm>>
      tpu.enqueue_indirect_dma source(%dma_start3A_316 : memref<10240x128xf32, #tpu.memory_space<hbm>>) target(%arg12 : memref<128x128xf32, #tpu.memory_space<vmem>>) offsets(%arg8 : memref<128xi32, #tpu.memory_space<vmem>>) semaphore(%arg15 : memref<!tpu.dma_semaphore, #tpu.memory_space<semaphore_mem>>)
      %dma_wait3A = arith.constant 0 : i32
      %dma_wait3A_317 = arith.constant 0 : i32
      %dma_wait3A_318 = tpu.memref_slice %arg2[%dma_wait3A, %dma_wait3A_317] : memref<10240x128xf32, #tpu.memory_space<hbm>> -> memref<10240x128xf32, #tpu.memory_space<hbm>>
      tpu.wait_indirect_dma semaphore(%arg14 : memref<!tpu.dma_semaphore, #tpu.memory_space<semaphore_mem>>) src(%dma_wait3A_318 : memref<10240x128xf32, #tpu.memory_space<hbm>>) dst(%arg11 : memref<128x128xf32, #tpu.memory_space<vmem>>)
      "tpu.region"() ({
        %run_scoped3A = tpu.sem_alloc : memref<!tpu.dma_semaphore, #tpu.memory_space<semaphore_mem>>
        %dma_start3A_324 = arith.constant 0 : i32
        %dma_start3A_325 = arith.constant 0 : i32
        %dma_start3A_326 = tpu.memref_slice %arg13[%dma_start3A_324, %dma_start3A_325] : memref<10240x128xf32, #tpu.memory_space<vmem_shared>> -> memref<10240x128xf32, #tpu.memory_space<vmem_shared>>
        tpu.enqueue_indirect_dma source(%arg11 : memref<128x128xf32, #tpu.memory_space<vmem>>) target(%dma_start3A_326 : memref<10240x128xf32, #tpu.memory_space<vmem_shared>>) offsets(%arg9 : memref<128xi32, #tpu.memory_space<vmem>>) semaphore(%run_scoped3A : memref<!tpu.dma_semaphore, #tpu.memory_space<semaphore_mem>>) {add = true}
        %dma_wait3A_327 = arith.constant 0 : i32
        %dma_wait3A_328 = arith.constant 0 : i32
        %dma_wait3A_329 = tpu.memref_slice %arg13[%dma_wait3A_327, %dma_wait3A_328] : memref<10240x128xf32, #tpu.memory_space<vmem_shared>> -> memref<10240x128xf32, #tpu.memory_space<vmem_shared>>
        tpu.wait_indirect_dma semaphore(%run_scoped3A : memref<!tpu.dma_semaphore, #tpu.memory_space<semaphore_mem>>) src(%arg11 : memref<128x128xf32, #tpu.memory_space<vmem>>) dst(%dma_wait3A_329 : memref<10240x128xf32, #tpu.memory_space<vmem_shared>>)
        tpu.yield
      }) : () -> ()
      %lt3A = arith.constant 39 : i32
      %lt3A_319 = arith.cmpi slt, %scan3A_165, %lt3A : i32
      %convert_element_type3A = arith.extui %lt3A_319 : i1 to i32
      %cond3A = arith.constant 0 : i32
      %cond3A_320 = arith.cmpi ne, %convert_element_type3A, %cond3A : i32
      scf.if %cond3A_320 {
        %add3A_324 = arith.constant 2 : i32
        %add3A_325 = arith.addi %mul3A_167, %add3A_324 : i32
        %get3A_326 = arith.index_cast %add3A_325 : i32 to index
        %get3A_327 = arith.constant 0 : index
        %get3A_328 = tpu.vector_load %arg6[%get3A_326, %get3A_327] {strides = array<i32>} : memref<80x128xi32, #tpu.memory_space<vmem>>, vector<1x16xi32>,
        %get3A_329 = vector.shape_cast %get3A_328 : vector<1x16xi32> to vector<16xi32>
        %and3A_330 = arith.constant 65535 : i32
        %and3A_331 = vector.broadcast %and3A_330 : i32 to vector<16xi32>
        %and3A_332 = arith.andi %get3A_329, %and3A_331 : vector<16xi32>
        %swap3A_333 = arith.constant 0 : index
        %swap3A_334 = tpu.vector_load %arg7[%swap3A_333] {strides = array<i32>} : memref<128xi32, #tpu.memory_space<vmem>>, vector<16xi32>,
        %swap3A_335 = vector.shape_cast %swap3A_334 : vector<16xi32> to vector<16xi32>
        %swap3A_336 = vector.shape_cast %and3A_332 : vector<16xi32> to vector<16xi32>
        tpu.vector_store %arg7[%swap3A_333], %swap3A_336 {strides = array<i32>} : memref<128xi32, #tpu.memory_space<vmem>>, vector<16xi32>,
        %shift_right_logical3A_337 = arith.constant 16 : i32
        %shift_right_logical3A_338 = vector.broadcast %shift_right_logical3A_337 : i32 to vector<16xi32>
        %shift_right_logical3A_339 = arith.shrui %get3A_329, %shift_right_logical3A_338 : vector<16xi32>
        %swap3A_340 = arith.constant 0 : index
        %swap3A_341 = tpu.vector_load %arg9[%swap3A_340] {strides = array<i32>} : memref<128xi32, #tpu.memory_space<vmem>>, vector<16xi32>,
        %swap3A_342 = vector.shape_cast %swap3A_341 : vector<16xi32> to vector<16xi32>
        %swap3A_343 = vector.shape_cast %shift_right_logical3A_339 : vector<16xi32> to vector<16xi32>
        tpu.vector_store %arg9[%swap3A_340], %swap3A_343 {strides = array<i32>} : memref<128xi32, #tpu.memory_space<vmem>>, vector<16xi32>,
        %get3A_344 = arith.index_cast %add3A_325 : i32 to index
        %get3A_345 = arith.constant 16 : index
        %get3A_346 = tpu.vector_load %arg6[%get3A_344, %get3A_345] {strides = array<i32>} : memref<80x128xi32, #tpu.memory_space<vmem>>, vector<1x16xi32>,
        %get3A_347 = vector.shape_cast %get3A_346 : vector<1x16xi32> to vector<16xi32>
        %and3A_348 = arith.constant 65535 : i32
        %and3A_349 = vector.broadcast %and3A_348 : i32 to vector<16xi32>
        %and3A_350 = arith.andi %get3A_347, %and3A_349 : vector<16xi32>
        %swap3A_351 = arith.constant 16 : index
        %swap3A_352 = tpu.vector_load %arg7[%swap3A_351] {strides = array<i32>} : memref<128xi32, #tpu.memory_space<vmem>>, vector<16xi32>,
        %swap3A_353 = vector.shape_cast %swap3A_352 : vector<16xi32> to vector<16xi32>
        %swap3A_354 = vector.shape_cast %and3A_350 : vector<16xi32> to vector<16xi32>
        tpu.vector_store %arg7[%swap3A_351], %swap3A_354 {strides = array<i32>} : memref<128xi32, #tpu.memory_space<vmem>>, vector<16xi32>,
        %shift_right_logical3A_355 = arith.constant 16 : i32
        %shift_right_logical3A_356 = vector.broadcast %shift_right_logical3A_355 : i32 to vector<16xi32>
        %shift_right_logical3A_357 = arith.shrui %get3A_347, %shift_right_logical3A_356 : vector<16xi32>
        %swap3A_358 = arith.constant 16 : index
        %swap3A_359 = tpu.vector_load %arg9[%swap3A_358] {strides = array<i32>} : memref<128xi32, #tpu.memory_space<vmem>>, vector<16xi32>,
        %swap3A_360 = vector.shape_cast %swap3A_359 : vector<16xi32> to vector<16xi32>
        %swap3A_361 = vector.shape_cast %shift_right_logical3A_357 : vector<16xi32> to vector<16xi32>
        tpu.vector_store %arg9[%swap3A_358], %swap3A_361 {strides = array<i32>} : memref<128xi32, #tpu.memory_space<vmem>>, vector<16xi32>,
        %get3A_362 = arith.index_cast %add3A_325 : i32 to index
        %get3A_363 = arith.constant 32 : index
        %get3A_364 = tpu.vector_load %arg6[%get3A_362, %get3A_363] {strides = array<i32>} : memref<80x128xi32, #tpu.memory_space<vmem>>, vector<1x16xi32>,
        %get3A_365 = vector.shape_cast %get3A_364 : vector<1x16xi32> to vector<16xi32>
        %and3A_366 = arith.constant 65535 : i32
        %and3A_367 = vector.broadcast %and3A_366 : i32 to vector<16xi32>
        %and3A_368 = arith.andi %get3A_365, %and3A_367 : vector<16xi32>
        %swap3A_369 = arith.constant 32 : index
        %swap3A_370 = tpu.vector_load %arg7[%swap3A_369] {strides = array<i32>} : memref<128xi32, #tpu.memory_space<vmem>>, vector<16xi32>,
        %swap3A_371 = vector.shape_cast %swap3A_370 : vector<16xi32> to vector<16xi32>
        %swap3A_372 = vector.shape_cast %and3A_368 : vector<16xi32> to vector<16xi32>
        tpu.vector_store %arg7[%swap3A_369], %swap3A_372 {strides = array<i32>} : memref<128xi32, #tpu.memory_space<vmem>>, vector<16xi32>,
        %shift_right_logical3A_373 = arith.constant 16 : i32
        %shift_right_logical3A_374 = vector.broadcast %shift_right_logical3A_373 : i32 to vector<16xi32>
        %shift_right_logical3A_375 = arith.shrui %get3A_365, %shift_right_logical3A_374 : vector<16xi32>
        %swap3A_376 = arith.constant 32 : index
        %swap3A_377 = tpu.vector_load %arg9[%swap3A_376] {strides = array<i32>} : memref<128xi32, #tpu.memory_space<vmem>>, vector<16xi32>,
        %swap3A_378 = vector.shape_cast %swap3A_377 : vector<16xi32> to vector<16xi32>
        %swap3A_379 = vector.shape_cast %shift_right_logical3A_375 : vector<16xi32> to vector<16xi32>
        tpu.vector_store %arg9[%swap3A_376], %swap3A_379 {strides = array<i32>} : memref<128xi32, #tpu.memory_space<vmem>>, vector<16xi32>,
        %get3A_380 = arith.index_cast %add3A_325 : i32 to index
        %get3A_381 = arith.constant 48 : index
        %get3A_382 = tpu.vector_load %arg6[%get3A_380, %get3A_381] {strides = array<i32>} : memref<80x128xi32, #tpu.memory_space<vmem>>, vector<1x16xi32>,
        %get3A_383 = vector.shape_cast %get3A_382 : vector<1x16xi32> to vector<16xi32>
        %and3A_384 = arith.constant 65535 : i32
        %and3A_385 = vector.broadcast %and3A_384 : i32 to vector<16xi32>
        %and3A_386 = arith.andi %get3A_383, %and3A_385 : vector<16xi32>
        %swap3A_387 = arith.constant 48 : index
        %swap3A_388 = tpu.vector_load %arg7[%swap3A_387] {strides = array<i32>} : memref<128xi32, #tpu.memory_space<vmem>>, vector<16xi32>,
        %swap3A_389 = vector.shape_cast %swap3A_388 : vector<16xi32> to vector<16xi32>
        %swap3A_390 = vector.shape_cast %and3A_386 : vector<16xi32> to vector<16xi32>
        tpu.vector_store %arg7[%swap3A_387], %swap3A_390 {strides = array<i32>} : memref<128xi32, #tpu.memory_space<vmem>>, vector<16xi32>,
        %shift_right_logical3A_391 = arith.constant 16 : i32
        %shift_right_logical3A_392 = vector.broadcast %shift_right_logical3A_391 : i32 to vector<16xi32>
        %shift_right_logical3A_393 = arith.shrui %get3A_383, %shift_right_logical3A_392 : vector<16xi32>
        %swap3A_394 = arith.constant 48 : index
        %swap3A_395 = tpu.vector_load %arg9[%swap3A_394] {strides = array<i32>} : memref<128xi32, #tpu.memory_space<vmem>>, vector<16xi32>,
        %swap3A_396 = vector.shape_cast %swap3A_395 : vector<16xi32> to vector<16xi32>
        %swap3A_397 = vector.shape_cast %shift_right_logical3A_393 : vector<16xi32> to vector<16xi32>
        tpu.vector_store %arg9[%swap3A_394], %swap3A_397 {strides = array<i32>} : memref<128xi32, #tpu.memory_space<vmem>>, vector<16xi32>,
        %get3A_398 = arith.index_cast %add3A_325 : i32 to index
        %get3A_399 = arith.constant 64 : index
        %get3A_400 = tpu.vector_load %arg6[%get3A_398, %get3A_399] {strides = array<i32>} : memref<80x128xi32, #tpu.memory_space<vmem>>, vector<1x16xi32>,
        %get3A_401 = vector.shape_cast %get3A_400 : vector<1x16xi32> to vector<16xi32>
        %and3A_402 = arith.constant 65535 : i32
        %and3A_403 = vector.broadcast %and3A_402 : i32 to vector<16xi32>
        %and3A_404 = arith.andi %get3A_401, %and3A_403 : vector<16xi32>
        %swap3A_405 = arith.constant 64 : index
        %swap3A_406 = tpu.vector_load %arg7[%swap3A_405] {strides = array<i32>} : memref<128xi32, #tpu.memory_space<vmem>>, vector<16xi32>,
        %swap3A_407 = vector.shape_cast %swap3A_406 : vector<16xi32> to vector<16xi32>
        %swap3A_408 = vector.shape_cast %and3A_404 : vector<16xi32> to vector<16xi32>
        tpu.vector_store %arg7[%swap3A_405], %swap3A_408 {strides = array<i32>} : memref<128xi32, #tpu.memory_space<vmem>>, vector<16xi32>,
        %shift_right_logical3A_409 = arith.constant 16 : i32
        %shift_right_logical3A_410 = vector.broadcast %shift_right_logical3A_409 : i32 to vector<16xi32>
        %shift_right_logical3A_411 = arith.shrui %get3A_401, %shift_right_logical3A_410 : vector<16xi32>
        %swap3A_412 = arith.constant 64 : index
        %swap3A_413 = tpu.vector_load %arg9[%swap3A_412] {strides = array<i32>} : memref<128xi32, #tpu.memory_space<vmem>>, vector<16xi32>,
        %swap3A_414 = vector.shape_cast %swap3A_413 : vector<16xi32> to vector<16xi32>
        %swap3A_415 = vector.shape_cast %shift_right_logical3A_411 : vector<16xi32> to vector<16xi32>
        tpu.vector_store %arg9[%swap3A_412], %swap3A_415 {strides = array<i32>} : memref<128xi32, #tpu.memory_space<vmem>>, vector<16xi32>,
        %get3A_416 = arith.index_cast %add3A_325 : i32 to index
        %get3A_417 = arith.constant 80 : index
        %get3A_418 = tpu.vector_load %arg6[%get3A_416, %get3A_417] {strides = array<i32>} : memref<80x128xi32, #tpu.memory_space<vmem>>, vector<1x16xi32>,
        %get3A_419 = vector.shape_cast %get3A_418 : vector<1x16xi32> to vector<16xi32>
        %and3A_420 = arith.constant 65535 : i32
        %and3A_421 = vector.broadcast %and3A_420 : i32 to vector<16xi32>
        %and3A_422 = arith.andi %get3A_419, %and3A_421 : vector<16xi32>
        %swap3A_423 = arith.constant 80 : index
        %swap3A_424 = tpu.vector_load %arg7[%swap3A_423] {strides = array<i32>} : memref<128xi32, #tpu.memory_space<vmem>>, vector<16xi32>,
        %swap3A_425 = vector.shape_cast %swap3A_424 : vector<16xi32> to vector<16xi32>
        %swap3A_426 = vector.shape_cast %and3A_422 : vector<16xi32> to vector<16xi32>
        tpu.vector_store %arg7[%swap3A_423], %swap3A_426 {strides = array<i32>} : memref<128xi32, #tpu.memory_space<vmem>>, vector<16xi32>,
        %shift_right_logical3A_427 = arith.constant 16 : i32
        %shift_right_logical3A_428 = vector.broadcast %shift_right_logical3A_427 : i32 to vector<16xi32>
        %shift_right_logical3A_429 = arith.shrui %get3A_419, %shift_right_logical3A_428 : vector<16xi32>
        %swap3A_430 = arith.constant 80 : index
        %swap3A_431 = tpu.vector_load %arg9[%swap3A_430] {strides = array<i32>} : memref<128xi32, #tpu.memory_space<vmem>>, vector<16xi32>,
        %swap3A_432 = vector.shape_cast %swap3A_431 : vector<16xi32> to vector<16xi32>
        %swap3A_433 = vector.shape_cast %shift_right_logical3A_429 : vector<16xi32> to vector<16xi32>
        tpu.vector_store %arg9[%swap3A_430], %swap3A_433 {strides = array<i32>} : memref<128xi32, #tpu.memory_space<vmem>>, vector<16xi32>,
        %get3A_434 = arith.index_cast %add3A_325 : i32 to index
        %get3A_435 = arith.constant 96 : index
        %get3A_436 = tpu.vector_load %arg6[%get3A_434, %get3A_435] {strides = array<i32>} : memref<80x128xi32, #tpu.memory_space<vmem>>, vector<1x16xi32>,
        %get3A_437 = vector.shape_cast %get3A_436 : vector<1x16xi32> to vector<16xi32>
        %and3A_438 = arith.constant 65535 : i32
        %and3A_439 = vector.broadcast %and3A_438 : i32 to vector<16xi32>
        %and3A_440 = arith.andi %get3A_437, %and3A_439 : vector<16xi32>
        %swap3A_441 = arith.constant 96 : index
        %swap3A_442 = tpu.vector_load %arg7[%swap3A_441] {strides = array<i32>} : memref<128xi32, #tpu.memory_space<vmem>>, vector<16xi32>,
        %swap3A_443 = vector.shape_cast %swap3A_442 : vector<16xi32> to vector<16xi32>
        %swap3A_444 = vector.shape_cast %and3A_440 : vector<16xi32> to vector<16xi32>
        tpu.vector_store %arg7[%swap3A_441], %swap3A_444 {strides = array<i32>} : memref<128xi32, #tpu.memory_space<vmem>>, vector<16xi32>,
        %shift_right_logical3A_445 = arith.constant 16 : i32
        %shift_right_logical3A_446 = vector.broadcast %shift_right_logical3A_445 : i32 to vector<16xi32>
        %shift_right_logical3A_447 = arith.shrui %get3A_437, %shift_right_logical3A_446 : vector<16xi32>
        %swap3A_448 = arith.constant 96 : index
        %swap3A_449 = tpu.vector_load %arg9[%swap3A_448] {strides = array<i32>} : memref<128xi32, #tpu.memory_space<vmem>>, vector<16xi32>,
        %swap3A_450 = vector.shape_cast %swap3A_449 : vector<16xi32> to vector<16xi32>
        %swap3A_451 = vector.shape_cast %shift_right_logical3A_447 : vector<16xi32> to vector<16xi32>
        tpu.vector_store %arg9[%swap3A_448], %swap3A_451 {strides = array<i32>} : memref<128xi32, #tpu.memory_space<vmem>>, vector<16xi32>,
        %get3A_452 = arith.index_cast %add3A_325 : i32 to index
        %get3A_453 = arith.constant 112 : index
        %get3A_454 = tpu.vector_load %arg6[%get3A_452, %get3A_453] {strides = array<i32>} : memref<80x128xi32, #tpu.memory_space<vmem>>, vector<1x16xi32>,
        %get3A_455 = vector.shape_cast %get3A_454 : vector<1x16xi32> to vector<16xi32>
        %and3A_456 = arith.constant 65535 : i32
        %and3A_457 = vector.broadcast %and3A_456 : i32 to vector<16xi32>
        %and3A_458 = arith.andi %get3A_455, %and3A_457 : vector<16xi32>
        %swap3A_459 = arith.constant 112 : index
        %swap3A_460 = tpu.vector_load %arg7[%swap3A_459] {strides = array<i32>} : memref<128xi32, #tpu.memory_space<vmem>>, vector<16xi32>,
        %swap3A_461 = vector.shape_cast %swap3A_460 : vector<16xi32> to vector<16xi32>
        %swap3A_462 = vector.shape_cast %and3A_458 : vector<16xi32> to vector<16xi32>
        tpu.vector_store %arg7[%swap3A_459], %swap3A_462 {strides = array<i32>} : memref<128xi32, #tpu.memory_space<vmem>>, vector<16xi32>,
        %shift_right_logical3A_463 = arith.constant 16 : i32
        %shift_right_logical3A_464 = vector.broadcast %shift_right_logical3A_463 : i32 to vector<16xi32>
        %shift_right_logical3A_465 = arith.shrui %get3A_455, %shift_right_logical3A_464 : vector<16xi32>
        %swap3A_466 = arith.constant 112 : index
        %swap3A_467 = tpu.vector_load %arg9[%swap3A_466] {strides = array<i32>} : memref<128xi32, #tpu.memory_space<vmem>>, vector<16xi32>,
        %swap3A_468 = vector.shape_cast %swap3A_467 : vector<16xi32> to vector<16xi32>
        %swap3A_469 = vector.shape_cast %shift_right_logical3A_465 : vector<16xi32> to vector<16xi32>
        tpu.vector_store %arg9[%swap3A_466], %swap3A_469 {strides = array<i32>} : memref<128xi32, #tpu.memory_space<vmem>>, vector<16xi32>,
        %dma_start3A_470 = arith.constant 0 : i32
        %dma_start3A_471 = arith.constant 0 : i32
        %dma_start3A_472 = tpu.memref_slice %arg2[%dma_start3A_470, %dma_start3A_471] : memref<10240x128xf32, #tpu.memory_space<hbm>> -> memref<10240x128xf32, #tpu.memory_space<hbm>>
        tpu.enqueue_indirect_dma source(%dma_start3A_472 : memref<10240x128xf32, #tpu.memory_space<hbm>>) target(%arg11 : memref<128x128xf32, #tpu.memory_space<vmem>>) offsets(%arg7 : memref<128xi32, #tpu.memory_space<vmem>>) semaphore(%arg14 : memref<!tpu.dma_semaphore, #tpu.memory_space<semaphore_mem>>)
      } else {
      }
      %dma_wait3A_321 = arith.constant 0 : i32
      %dma_wait3A_322 = arith.constant 0 : i32
      %dma_wait3A_323 = tpu.memref_slice %arg2[%dma_wait3A_321, %dma_wait3A_322] : memref<10240x128xf32, #tpu.memory_space<hbm>> -> memref<10240x128xf32, #tpu.memory_space<hbm>>
      tpu.wait_indirect_dma semaphore(%arg15 : memref<!tpu.dma_semaphore, #tpu.memory_space<semaphore_mem>>) src(%dma_wait3A_323 : memref<10240x128xf32, #tpu.memory_space<hbm>>) dst(%arg12 : memref<128x128xf32, #tpu.memory_space<vmem>>)
      "tpu.region"() ({
        %run_scoped3A = tpu.sem_alloc : memref<!tpu.dma_semaphore, #tpu.memory_space<semaphore_mem>>
        %dma_start3A_324 = arith.constant 0 : i32
        %dma_start3A_325 = arith.constant 0 : i32
        %dma_start3A_326 = tpu.memref_slice %arg13[%dma_start3A_324, %dma_start3A_325] : memref<10240x128xf32, #tpu.memory_space<vmem_shared>> -> memref<10240x128xf32, #tpu.memory_space<vmem_shared>>
        tpu.enqueue_indirect_dma source(%arg12 : memref<128x128xf32, #tpu.memory_space<vmem>>) target(%dma_start3A_326 : memref<10240x128xf32, #tpu.memory_space<vmem_shared>>) offsets(%arg10 : memref<128xi32, #tpu.memory_space<vmem>>) semaphore(%run_scoped3A : memref<!tpu.dma_semaphore, #tpu.memory_space<semaphore_mem>>) {add = true}
        %dma_wait3A_327 = arith.constant 0 : i32
        %dma_wait3A_328 = arith.constant 0 : i32
        %dma_wait3A_329 = tpu.memref_slice %arg13[%dma_wait3A_327, %dma_wait3A_328] : memref<10240x128xf32, #tpu.memory_space<vmem_shared>> -> memref<10240x128xf32, #tpu.memory_space<vmem_shared>>
        tpu.wait_indirect_dma semaphore(%run_scoped3A : memref<!tpu.dma_semaphore, #tpu.memory_space<semaphore_mem>>) src(%arg12 : memref<128x128xf32, #tpu.memory_space<vmem>>) dst(%dma_wait3A_329 : memref<10240x128xf32, #tpu.memory_space<vmem_shared>>)
        tpu.yield
      }) : () -> ()
    }
    %scan3A_159 = arith.constant 40 : i32
    %barrier3A_160 = arith.constant 0 : index
    tpu.barrier barrier_id(%barrier3A_160)
    %mul3A_161 = arith.constant 640 : i32
    %mul3A_162 = arith.muli %arg1, %mul3A_161 : i32
    %mul3A_163 = arith.constant 640 : i32
    %mul3A_164 = arith.muli %arg1, %mul3A_163 : i32
    "tpu.region"() ({
      %run_scoped3A = tpu.sem_alloc : memref<!tpu.dma_semaphore, #tpu.memory_space<semaphore_mem>>
      %dma_start3A_165 = arith.constant 0 : i32
      %dma_start3A_166 = tpu.memref_slice %arg5[%arg0, %mul3A_164, %dma_start3A_165] : memref<2x10240x128xf32, #tpu.memory_space<hbm>> -> memref<1x640x128xf32, #tpu.memory_space<hbm>>
      %dma_start3A_167 = tpu.memref_squeeze %dma_start3A_166 : memref<1x640x128xf32, #tpu.memory_space<hbm>> -> memref<640x128xf32, #tpu.memory_space<hbm>>
      %dma_start3A_168 = arith.constant 0 : i32
      %dma_start3A_169 = tpu.memref_slice %arg13[%mul3A_162, %dma_start3A_168] : memref<10240x128xf32, #tpu.memory_space<vmem_shared>> -> memref<640x128xf32, #tpu.memory_space<vmem_shared>>
      tpu.enqueue_dma source(%dma_start3A_169 : memref<640x128xf32, #tpu.memory_space<vmem_shared>>) target(%dma_start3A_167 : memref<640x128xf32, #tpu.memory_space<hbm>>) target_semaphore(%run_scoped3A : memref<!tpu.dma_semaphore, #tpu.memory_space<semaphore_mem>>)
      %dma_wait3A = arith.constant 0 : i32
      %dma_wait3A_170 = tpu.memref_slice %arg5[%arg0, %mul3A_164, %dma_wait3A] : memref<2x10240x128xf32, #tpu.memory_space<hbm>> -> memref<1x640x128xf32, #tpu.memory_space<hbm>>
      %dma_wait3A_171 = tpu.memref_squeeze %dma_wait3A_170 : memref<1x640x128xf32, #tpu.memory_space<hbm>> -> memref<640x128xf32, #tpu.memory_space<hbm>>
      %dma_wait3A_172 = arith.constant 0 : i32
      %dma_wait3A_173 = tpu.memref_slice %arg13[%mul3A_162, %dma_wait3A_172] : memref<10240x128xf32, #tpu.memory_space<vmem_shared>> -> memref<640x128xf32, #tpu.memory_space<vmem_shared>>
      tpu.wait_dma2 semaphore(%run_scoped3A : memref<!tpu.dma_semaphore, #tpu.memory_space<semaphore_mem>>) src(%dma_wait3A_173 : memref<640x128xf32, #tpu.memory_space<vmem_shared>>) dst(%dma_wait3A_171 : memref<640x128xf32, #tpu.memory_space<hbm>>)
      tpu.yield
    }) : () -> ()
    return
  }
}

module attributes {stable_mosaic.version = 14 : i64} {
  func.func @_mm_body(%arg0: i32, %arg1: memref<1024x128xf32, #tpu.memory_space<vmem>>, %arg2: memref<128x128xf32, #tpu.memory_space<vmem>>, %arg3: memref<1024x128xf32, #tpu.memory_space<vmem>>) attributes {dimension_semantics = [#tpu.dimension_semantics<arbitrary>], iteration_bounds = array<i64: 10>, scalar_prefetch = 0 : i64, scratch_operands = 0 : i64, tpu.core_type = #tpu.core_type<tc>, window_params = [{transform_indices = @transform_0, window_bounds = array<i64: 1024, 128>}, {pipeline_mode = #tpu.pipeline_mode<synchronous>, transform_indices = @transform_1, window_bounds = array<i64: 128, 128>}, {transform_indices = @transform_2, window_bounds = array<i64: 1024, 128>}]} {
    %get3A = arith.constant 0 : index
    %get3A_0 = arith.constant 0 : index
    %get3A_1 = vector.load %arg1[%get3A, %get3A_0] : memref<1024x128xf32, #tpu.memory_space<vmem>>, vector<1024x128xf32>
    %get3A_2 = arith.constant 0 : index
    %get3A_3 = arith.constant 0 : index
    %get3A_4 = vector.load %arg2[%get3A_2, %get3A_3] : memref<128x128xf32, #tpu.memory_space<vmem>>, vector<128x128xf32>
    %dot_general3A = arith.constant dense<0.000000e+00> : vector<1024x128xf32>
    %dot_general3A_5 = tpu.matmul %get3A_1, %get3A_4, %dot_general3A {dimension_numbers = #tpu.dot_dimension_numbers<[1], [0], [0], [1], [0, 0, 1, 1], [], []>, transpose_lhs_hint = false} : vector<1024x128xf32>, vector<128x128xf32>, vector<1024x128xf32> -> vector<1024x128xf32>
    %swap3A = arith.constant 0 : index
    %swap3A_6 = arith.constant 0 : index
    %swap3A_7 = vector.load %arg3[%swap3A, %swap3A_6] : memref<1024x128xf32, #tpu.memory_space<vmem>>, vector<1024x128xf32>
    tpu.vector_store %arg3[%swap3A, %swap3A_6], %dot_general3A_5 {strides = array<i32>} : memref<1024x128xf32, #tpu.memory_space<vmem>>, vector<1024x128xf32>,
    return
  }
  func.func @transform_0(%arg0: i32) -> (i32, i32) {
    %c0_i32 = arith.constant 0 : i32
    %c0_i32_0 = arith.constant 0 : i32
    return %arg0, %c0_i32 : i32, i32
  }
  func.func @transform_1(%arg0: i32) -> (i32, i32) {
    %c0_i32 = arith.constant 0 : i32
    %c0_i32_0 = arith.constant 0 : i32
    %c0_i32_1 = arith.constant 0 : i32
    return %c0_i32, %c0_i32_0 : i32, i32
  }
  func.func @transform_2(%arg0: i32) -> (i32, i32) {
    %c0_i32 = arith.constant 0 : i32
    %c0_i32_0 = arith.constant 0 : i32
    return %arg0, %c0_i32 : i32, i32
  }
}

module attributes {stable_mosaic.version = 14 : i64} {
  func.func @_scale_body(%arg0: i32, %arg1: memref<1024x128xf32, #tpu.memory_space<vmem>>, %arg2: memref<2x1024xf32, #tpu.memory_space<vmem>>, %arg3: memref<1024x128xf32, #tpu.memory_space<vmem>>, %arg4: memref<1024xf32, #tpu.memory_space<vmem>>) attributes {dimension_semantics = [#tpu.dimension_semantics<arbitrary>], iteration_bounds = array<i64: 10>, scalar_prefetch = 0 : i64, scratch_operands = 0 : i64, tpu.core_type = #tpu.core_type<tc>, window_params = [{transform_indices = @transform_0, window_bounds = array<i64: 1024, 128>}, {transform_indices = @transform_1, window_bounds = array<i64: 2, 1024>}, {transform_indices = @transform_2, window_bounds = array<i64: 1024, 128>}, {transform_indices = @transform_3, window_bounds = array<i64: 1024>}]} {
    %get3A = arith.constant 0 : index
    %get3A_0 = arith.constant 0 : index
    %get3A_1 = vector.load %arg2[%get3A, %get3A_0] : memref<2x1024xf32, #tpu.memory_space<vmem>>, vector<1x1024xf32>
    %get3A_2 = vector.shape_cast %get3A_1 : vector<1x1024xf32> to vector<1024xf32>
    %get3A_3 = arith.constant 1 : index
    %get3A_4 = arith.constant 0 : index
    %get3A_5 = vector.load %arg2[%get3A_3, %get3A_4] : memref<2x1024xf32, #tpu.memory_space<vmem>>, vector<1x1024xf32>
    %get3A_6 = vector.shape_cast %get3A_5 : vector<1x1024xf32> to vector<1024xf32>
    %add3A = arith.addf %get3A_2, %get3A_6 : vector<1024xf32>
    %add3A_7 = arith.constant 1.000000e+00 : f32
    %add3A_8 = vector.broadcast %add3A_7 : f32 to vector<1024xf32>
    %add3A_9 = arith.addf %add3A, %add3A_8 : vector<1024xf32>
    %rsqrt3A = math.rsqrt %add3A_9 : vector<1024xf32>
    %get3A_10 = arith.constant 0 : index
    %get3A_11 = arith.constant 0 : index
    %get3A_12 = vector.load %arg1[%get3A_10, %get3A_11] : memref<1024x128xf32, #tpu.memory_space<vmem>>, vector<1024x128xf32>
    %broadcast_in_dim3A = vector.shape_cast %rsqrt3A : vector<1024xf32> to vector<1024x1xf32>
    %mul3A = vector.broadcast %broadcast_in_dim3A : vector<1024x1xf32> to vector<1024x128xf32>
    %mul3A_13 = arith.mulf %get3A_12, %mul3A : vector<1024x128xf32>
    %swap3A = arith.constant 0 : index
    %swap3A_14 = arith.constant 0 : index
    %swap3A_15 = vector.load %arg3[%swap3A, %swap3A_14] : memref<1024x128xf32, #tpu.memory_space<vmem>>, vector<1024x128xf32>
    tpu.vector_store %arg3[%swap3A, %swap3A_14], %mul3A_13 {strides = array<i32>} : memref<1024x128xf32, #tpu.memory_space<vmem>>, vector<1024x128xf32>,
    %swap3A_16 = arith.constant 0 : index
    %swap3A_17 = vector.load %arg4[%swap3A_16] : memref<1024xf32, #tpu.memory_space<vmem>>, vector<1024xf32>
    tpu.vector_store %arg4[%swap3A_16], %rsqrt3A {strides = array<i32>} : memref<1024xf32, #tpu.memory_space<vmem>>, vector<1024xf32>,
    return
  }
  func.func @transform_0(%arg0: i32) -> (i32, i32) {
    %c0_i32 = arith.constant 0 : i32
    %c0_i32_0 = arith.constant 0 : i32
    return %arg0, %c0_i32 : i32, i32
  }
  func.func @transform_1(%arg0: i32) -> (i32, i32) {
    %c0_i32 = arith.constant 0 : i32
    %c0_i32_0 = arith.constant 0 : i32
    return %c0_i32, %arg0 : i32, i32
  }
  func.func @transform_2(%arg0: i32) -> (i32, i32) {
    %c0_i32 = arith.constant 0 : i32
    %c0_i32_0 = arith.constant 0 : i32
    return %arg0, %c0_i32 : i32, i32
  }
  func.func @transform_3(%arg0: i32) -> i32 {
    %c0_i32 = arith.constant 0 : i32
    return %arg0 : i32
  }
}

module attributes {stable_mosaic.version = 14 : i64} {
  func.func @_comb_body(%arg0: i32, %arg1: memref<2x1024x128xf32, #tpu.memory_space<vmem>>, %arg2: memref<1024x128xf32, #tpu.memory_space<vmem>>, %arg3: memref<1024xf32, #tpu.memory_space<vmem>>, %arg4: memref<128xf32, #tpu.memory_space<vmem>>, %arg5: memref<1024x128xf32, #tpu.memory_space<vmem>>) attributes {dimension_semantics = [#tpu.dimension_semantics<arbitrary>], iteration_bounds = array<i64: 10>, scalar_prefetch = 0 : i64, scratch_operands = 0 : i64, tpu.core_type = #tpu.core_type<tc>, window_params = [{transform_indices = @transform_0, window_bounds = array<i64: 2, 1024, 128>}, {transform_indices = @transform_1, window_bounds = array<i64: 1024, 128>}, {transform_indices = @transform_2, window_bounds = array<i64: 1024>}, {pipeline_mode = #tpu.pipeline_mode<synchronous>, transform_indices = @transform_3, window_bounds = array<i64: 128>}, {transform_indices = @transform_4, window_bounds = array<i64: 1024, 128>}]} {
    %get3A = arith.constant 0 : index
    %get3A_0 = arith.constant 0 : index
    %get3A_1 = arith.constant 0 : index
    %get3A_2 = vector.load %arg1[%get3A, %get3A_0, %get3A_1] : memref<2x1024x128xf32, #tpu.memory_space<vmem>>, vector<1x1024x128xf32>
    %get3A_3 = vector.shape_cast %get3A_2 : vector<1x1024x128xf32> to vector<1024x128xf32>
    %get3A_4 = arith.constant 1 : index
    %get3A_5 = arith.constant 0 : index
    %get3A_6 = arith.constant 0 : index
    %get3A_7 = vector.load %arg1[%get3A_4, %get3A_5, %get3A_6] : memref<2x1024x128xf32, #tpu.memory_space<vmem>>, vector<1x1024x128xf32>
    %get3A_8 = vector.shape_cast %get3A_7 : vector<1x1024x128xf32> to vector<1024x128xf32>
    %add3A = arith.addf %get3A_3, %get3A_8 : vector<1024x128xf32>
    %get3A_9 = arith.constant 0 : index
    %get3A_10 = arith.constant 0 : index
    %get3A_11 = vector.load %arg2[%get3A_9, %get3A_10] : memref<1024x128xf32, #tpu.memory_space<vmem>>, vector<1024x128xf32>
    %add3A_12 = arith.addf %add3A, %get3A_11 : vector<1024x128xf32>
    %get3A_13 = arith.constant 0 : index
    %get3A_14 = vector.load %arg3[%get3A_13] : memref<1024xf32, #tpu.memory_space<vmem>>, vector<1024xf32>
    %broadcast_in_dim3A = vector.shape_cast %get3A_14 : vector<1024xf32> to vector<1024x1xf32>
    %mul3A = vector.broadcast %broadcast_in_dim3A : vector<1024x1xf32> to vector<1024x128xf32>
    %mul3A_15 = arith.mulf %add3A_12, %mul3A : vector<1024x128xf32>
    %get3A_16 = arith.constant 0 : index
    %get3A_17 = vector.load %arg4[%get3A_16] : memref<128xf32, #tpu.memory_space<vmem>>, vector<128xf32>
    %broadcast_in_dim3A_18 = vector.shape_cast %get3A_17 : vector<128xf32> to vector<1x128xf32>
    %add3A_19 = vector.broadcast %broadcast_in_dim3A_18 : vector<1x128xf32> to vector<1024x128xf32>
    %add3A_20 = arith.addf %mul3A_15, %add3A_19 : vector<1024x128xf32>
    %max3A = arith.constant 0.000000e+00 : f32
    %max3A_21 = vector.broadcast %max3A : f32 to vector<1024x128xf32>
    %max3A_22 = arith.maximumf %add3A_20, %max3A_21 : vector<1024x128xf32>
    %swap3A = arith.constant 0 : index
    %swap3A_23 = arith.constant 0 : index
    %swap3A_24 = vector.load %arg5[%swap3A, %swap3A_23] : memref<1024x128xf32, #tpu.memory_space<vmem>>, vector<1024x128xf32>
    tpu.vector_store %arg5[%swap3A, %swap3A_23], %max3A_22 {strides = array<i32>} : memref<1024x128xf32, #tpu.memory_space<vmem>>, vector<1024x128xf32>,
    return
  }
  func.func @transform_0(%arg0: i32) -> (i32, i32, i32) {
    %c0_i32 = arith.constant 0 : i32
    %c0_i32_0 = arith.constant 0 : i32
    %c0_i32_1 = arith.constant 0 : i32
    return %c0_i32, %arg0, %c0_i32_0 : i32, i32, i32
  }
  func.func @transform_1(%arg0: i32) -> (i32, i32) {
    %c0_i32 = arith.constant 0 : i32
    %c0_i32_0 = arith.constant 0 : i32
    return %arg0, %c0_i32 : i32, i32
  }
  func.func @transform_2(%arg0: i32) -> i32 {
    %c0_i32 = arith.constant 0 : i32
    return %arg0 : i32
  }
  func.func @transform_3(%arg0: i32) -> i32 {
    %c0_i32 = arith.constant 0 : i32
    %c0_i32_0 = arith.constant 0 : i32
    return %c0_i32 : i32
  }
  func.func @transform_4(%arg0: i32) -> (i32, i32) {
    %c0_i32 = arith.constant 0 : i32
    %c0_i32_0 = arith.constant 0 : i32
    return %arg0, %c0_i32 : i32, i32
  }
}

</mosaic_0001>

<sc_bundles>
// kernel: kernel.10.cloned.1.call-start
scs
__scs_entry_jumppad:
0x0: {  	(pc) =	sbr.rel $0x88, $3  }
0x1: {  	(tag) =	ssettag $0x0;
	lr =	simm.s32 $0x1  }
0x2: {  	[smem:$0x3F9D] =	sst lr;
	_ =	strace $0xD0000000  }
0x3: {  	_ = 	snop  }
0x4: {  	_ = 	snop  }
0x5: {  	_ = 	snop  }
0x6: {  	_ = 	snop  }
0x7: {  	_ = 	snop  }
__scs_overlays_trampoline_lowered:
0x8: {  	[smem:$0x3FAC] =	sst s0  }
0x9: {  	[smem:$0x3FAD] =	sst s1  }
0xa: {  	[smem:$0x3FAE] =	sst s2  }
0xb: {  	[smem:$0x3FAF] =	sst s3  }
0xc: {  	[smem:$0x3FB0] =	sst s4  }
0xd: {  	[smem:$0x3FB1] =	sst s5  }
0xe: {  	[smem:$0x3FB2] =	sst s6  }
0xf: {  	[smem:$0x3FB3] =	sst s7  }
0x10: {  	[smem:$0x3FB4] =	sst s8  }
0x11: {  	[smem:$0x3FB5] =	sst s9;
	s0 =	simm.s32 @!p0 $0x0  }
0x12: {  	s1 =	sld [smem:$0x3F9B];
	s0 =	simm.s32 @p0 $0x1  }
0x13: {  	[smem:$0x3FB6] =	sst s0;
	s0 =	simm.s32 @!p1 $0x0  }
0x14: {  	s2 =	sld [smem:$0x3F9A];
	s0 =	simm.s32 @p1 $0x1  }
0x15: {  	[smem:$0x3FB7] =	sst s0;
	s0 =	simm.s32 @!p2 $0x0  }
0x16: {  	s3 =	sld [smem:$0x3FDB];
	s0 =	simm.s32 @p2 $0x1  }
0x17: {  	s4 =	simm.s32 $0x1BF5;
	[smem:$0x3FB9] =	sst s0  }
0x18: {  	s0 =	sld [smem:$0x3F9C];
	_ =	swait.ge [sflag:s4], $0x0  }
0x19: {  	s7 =	sld [smem:$0x3F9D]  }
0x1a: {  	s8 =	sadd.s32 $0xFFFFE003, lr  }
0x1b: {  	s9 =	sadd.s32 $0xFFFFFEF7, lr;
	s5 =	simm.s32 $0xFFFFFFFF;
	p2 =	slt.u32 s8, $0xFFFFF086  }
0x1c: {  	p1 =	slt.u32 s9, $0xF7A;
	s5 =	simm.s32 @!p2 $0x0  }
0x1d: {  	s5 =	simm.s32 @p1 $0x1;
	p0 =	seq.s32 s7, s2  }
0x1e: {  	s7 =	smul.u32 @!p0 $0xF7A, s2;
	p2 =	seq.s32 @!p0 s5, $0x0  }
0x1f: {  	s9 =	smul.u32 $0xF7A, s1;
	s8 =	simm.s32 @!p0 $0x1BF5;
	p2 =	por !p2, p0  }
0x20: {  	[sflag:s8] =	ssyncset.s32 @!p0 $0xFFFFF086;
	s6 =	sadd.s32 @!p0 s3, s7;
	s7 =	simm.s32 @!p0 $0x108  }
0x21: {  	s3 =	sadd.s32 s3, s9;
	s6 =	sadd.s32 @!p0 $0x88, s6;
	s7 =	simm.s32 @p2 $0x1082  }
0x22: {  	[simem:s7], [sflag:s8] =	dma.local @!p0 [hbm:s6], $0xF7A  }
0x23: {  	s9 =	sor.u32 $0xD0000000, s2;
	s6 =	simm.s32 $0x108;
	_ =	swait.ge @!p0 [sflag:s8], $0x0  }
0x24: {  	s3 =	sadd.s32 $0x88, s3;
	s6 =	simm.s32 @!p1 $0x1082;
	[sflag:s4] =	ssyncset.s32 $0xFFFFF086  }
0x25: {  	[simem:s6], [sflag:s4] =	dma.local [hbm:s3], $0xF7A  }
0x26: {  	[smem:$0x3F9D] =	sst s1;
	(tag) =	ssettag s2;
	_ =	strace s9  }
0x27: {  	s1 =	sld [smem:$0x3FAD]  }
0x28: {  	s2 =	sld [smem:$0x3FAE]  }
0x29: {  	s4 =	sld [smem:$0x3FB0]  }
0x2a: {  	p0 =	seq.s32 s5, $0x0;
	s5 =	sld [smem:$0x3FB1]  }
0x2b: {  	s6 =	sld [smem:$0x3FB2]  }
0x2c: {  	s7 =	sld [smem:$0x3FB3]  }
0x2d: {  	s3 =	simm.s32 $0x108;
	s8 =	sld [smem:$0x3FB4]  }
0x2e: {  	s3 =	simm.s32 @!p0 $0x1082;
	s9 =	sld [smem:$0x3FB5]  }
0x2f: {  	lr =	sadd.s32 s0, s3;
	s0 =	sld [smem:$0x3FAC]  }
0x30: {  	s3 =	sld [smem:$0x3FAF]  }
0x31: {  	[smem:$0x3FB8] =	sst s10  }
0x32: {  	s10 =	sld [smem:$0x3FB6];
	_ =	sdelay $0x3  }
0x33: {  	p0 =	seq.s32 s10, $0x1;
	s10 =	sld [smem:$0x3FB8];
	_ =	sdelay $0x3  }
0x34: {  	[smem:$0x3FB8] =	sst s10  }
0x35: {  	s10 =	sld [smem:$0x3FB7];
	_ =	sdelay $0x3  }
0x36: {  	p1 =	seq.s32 s10, $0x1;
	s10 =	sld [smem:$0x3FB8];
	_ =	sdelay $0x3  }
0x37: {  	[smem:$0x3FB8] =	sst s10  }
0x38: {  	s10 =	sld [smem:$0x3FB9]  }
0x39: {  	_ = 	snop;
	(pc) =	sbr.ind lr, $3  }
0x3a: {  	_ = 	snop  }
0x3b: {  	_ = 	snop  }
0x3c: {  	p2 =	seq.s32 s10, $0x1;
	s10 =	sld [smem:$0x3FB8]  }
0x3d: {  	_ =	shalt  }
0x3e: {  	_ =	shalt  }
0x3f: {  	_ =	shalt  }
0x40: {  	_ =	shalt  }
0x41: {  	_ =	shalt  }
0x42: {  	_ =	shalt  }
0x43: {  	_ =	shalt  }
0x44: {  	_ =	shalt  }
0x45: {  	_ =	shalt  }
0x46: {  	_ =	shalt  }
0x47: {  	_ =	shalt  }
0x48: {  	_ =	shalt  }
0x49: {  	_ =	shalt  }
0x4a: {  	_ =	shalt  }
0x4b: {  	_ =	shalt  }
0x4c: {  	_ =	shalt  }
0x4d: {  	_ =	shalt  }
0x4e: {  	_ =	shalt  }
0x4f: {  	_ =	shalt  }
0x50: {  	_ =	shalt  }
0x51: {  	_ =	shalt  }
0x52: {  	_ =	shalt  }
0x53: {  	_ =	shalt  }
0x54: {  	_ =	shalt  }
0x55: {  	_ =	shalt  }
0x56: {  	_ =	shalt  }
0x57: {  	_ =	shalt  }
0x58: {  	_ =	shalt  }
0x59: {  	_ =	shalt  }
0x5a: {  	_ =	shalt  }
0x5b: {  	_ =	shalt  }
0x5c: {  	_ =	shalt  }
0x5d: {  	_ =	shalt  }
0x5e: {  	_ =	shalt  }
0x5f: {  	_ =	shalt  }
0x60: {  	_ =	shalt  }
0x61: {  	_ =	shalt  }
0x62: {  	_ =	shalt  }
0x63: {  	_ =	shalt  }
0x64: {  	_ =	shalt  }
0x65: {  	_ =	shalt  }
0x66: {  	_ =	shalt  }
0x67: {  	_ =	shalt  }
0x68: {  	_ =	shalt  }
0x69: {  	_ =	shalt  }
0x6a: {  	_ =	shalt  }
0x6b: {  	_ =	shalt  }
0x6c: {  	_ =	shalt  }
0x6d: {  	_ =	shalt  }
0x6e: {  	_ =	shalt  }
0x6f: {  	_ =	shalt  }
0x70: {  	_ =	shalt  }
0x71: {  	_ =	shalt  }
0x72: {  	_ =	shalt  }
0x73: {  	_ =	shalt  }
0x74: {  	_ =	shalt  }
0x75: {  	_ =	shalt  }
0x76: {  	_ =	shalt  }
0x77: {  	_ =	shalt  }
0x78: {  	_ =	shalt  }
0x79: {  	_ =	shalt  }
0x7a: {  	_ =	shalt  }
0x7b: {  	_ =	shalt  }
0x7c: {  	_ =	shalt  }
0x7d: {  	_ =	shalt  }
0x7e: {  	_ =	shalt  }
0x7f: {  	_ =	shalt  }
0x80: {  	_ =	shalt  }
0x81: {  	_ =	shalt  }
0x82: {  	_ =	shalt  }
0x83: {  	_ =	shalt  }
0x84: {  	_ =	shalt  }
0x85: {  	_ =	shalt  }
0x86: {  	_ =	shalt  }
0x87: {  	_ =	shalt  }
.Lfunc_end0:
.L_simem_size_0:
called_computation.1_lowered:
.L_overlay_start_0:
0x88: {  	s2 =	sld [smem:$0x3FD9]  }
0x89: {  	s3 =	sld [smem:$0x3FFE];
	_ =	sdelay $0x1  }
0x8a: {  	s1 =	srdreg.scid  }
0x8b: {  	s0 =	sand.u32 $0x1, s1  }
0x8c: {  	s17 =	sshll.u32 s0, $0xA;
	s2 =	sadd.s32 s3, s2  }
0x8d: {  	s2 =	sadd.s32 s2, s17  }
0x8e: {  	[smem:$0x3FC4] =	sst s2  }
0x8f: {  	_ = 	snop  }
0x90: {  	s2 =	sld [smem:$0x3FD0];
	(tm) =	ssettm $0x1  }
0x91: {  	s18 =	sld [smem:$0x3FFB];
	_ =	sdelay $0x3  }
0x92: {  	_ =	strace s18  }
0x93: {  	s3 =	sld [smem:$0x3FFC];
	_ =	sdelay $0x3  }
0x94: {  	_ =	strace s3  }
0x95: {  	s3 =	sld [smem:$0x3FFD];
	_ =	sdelay $0x3  }
0x96: {  	_ =	strace s3  }
0x97: {  	_ =	strace $0x8FFFFFFF  }
0x98: {  	s19 =	sld [smem:$0x3FDB];
	_ =	sdelay $0x1  }
0x99: {  	s4 =	simm.s32 $_scs_section_size  }
0x9a: {  	s5 =	simm.s32 $_size__tile_overlayer_lowered;
	s6 =	simm.s32 $_tile_overlayer_lowered  }
0x9b: {  	s22 =	simm.s32 $0x1BFF;
	s21 =	sshll.u32 s6, $0x1;
	s3 =	sadd.s32 s4, s19  }
0x9c: {  	s7 =	simm.s32 $0x0;
	s20 =	sshll.u32 s5, $0x1;
	s5 =	sadd.s32 s21, s3  }
0x9d: {  	[timem:s7], [sflag:s22] =	dma.local [hbm:s5], s20  }
0x9e: {  	_ =	swait.ge [sflag:s22], s20  }
0x9f: {  	s4 =	ssub.s32 $0x0, s20;
	[sflag:s22] =	ssyncset.done $0x0  }
0xa0: {  	[sflag:s22] =	ssyncadd.s32 s4;
	_ =	sdelay $0x1  }
0xa1: {  	s23 =	simm.s32 $0x1B8B  }
0xa2: {  	_ =	swait.ge [sflag:s23], $0x1  }
0xa3: {  	[sflag:s23] =	ssyncset.done $0x0  }
0xa4: {  	s25 =	simm.s32 $0x1B8E;
	s24 =	sld [smem:$0x3FFE];
	[sflag:s23] =	ssyncadd.s32 $0xFFFFFFFF  }
0xa5: {  	s26 =	simm.s32 $execute0_lowered;
	[smem:$0x3FD2] =	sst s25  }
0xa6: {  	s5 =	sshll.u32 s26, $0x1;
	_ =	strace $0x80000049;
	[dreg:$0x1] =	wrdreg $0xFFFFFFFF  }
0xa7: {  	s28 =	simm.s32 $_size_execute0_lowered;
	s3 =	sadd.s32 s3, s5;
	[dreg:$0x0] =	wrdreg $0x0  }
0xa8: {  	s5 =	sshll.u32 s28, $0x1;
	[dreg:$0x2] =	wrdreg s3  }
0xa9: {  	[dreg:$0x3] =	wrdreg s5  }
0xaa: {  	[dreg:$0x4] =	wrdreg $0xC0  }
0xab: {  	_ =	task [dreg:s7], $0x5FFFF  }
0xac: {  	[dreg:$0x1] =	wrdreg $0xFFFFFFFF  }
0xad: {  	[dreg:$0x0] =	wrdreg $0x60  }
0xae: {  	[dreg:$0x2] =	wrdreg s24  }
0xaf: {  	[dreg:$0x3] =	wrdreg s2  }
0xb0: {  	[dreg:$0x4] =	wrdreg $0xAA000  }
0xb1: {  	[dreg:$0x5] =	wrdreg $0x9  }
0xb2: {  	_ =	task.clear_ibuf [dreg:s7], $0x6FFFF;
	_ =	strace $0x90000049  }
0xb3: {  	s29 =	simm.s32 $0x9;
	_ =	strace $0x8000004B  }
0xb4: {  	_ =	swait.ge [sflag:s29], $0x1  }
0xb5: {  	[sflag:s29] =	ssyncadd.s32 $0xFFFFFFFF  }
0xb6: {  	_ =	strace $0x9000004B  }
0xb7: {  	_ =	sfence  }
0xb8: {  	s30 =	sld [smem:$0x0];
	_ =	sdelay $0x2  }
0xb9: {  	s31 =	sshll.u32 s1, $0xD;
	s1 =	sshrl.u32 s1, $0x2  }
0xba: {  	s3 =	sand.u32 $0x4000, s31;
	s1 =	sadd.s32 s1, s30  }
0xbb: {  	s0 =	sor.u32 s3, s0;
	s1 =	sshll.u32 s1, $0x11  }
0xbc: {  	s0 =	sor.u32 s1, s0  }
0xbd: {  	s0 =	sadd.s32 $0x8F2B, s0  }
0xbe: {  	[sflag:s0] =	ssyncadd.remote.s32 $0x1  }
0xbf: {  	_ =	sfence.sel $0xFFFF  }
0xc0: {  	[dreg:$0x0] =	wrdreg $0xFFFFFFFF;
	(pc) =	sbr.abs _section_cstart, $3  }
0xc1: {  	[dreg:$0x1] =	wrdreg $0xFFFFFFFF  }
0xc2: {  	_ =	task.clear_ibuf [dreg:s7], $0x2FFFF;
	_ =	strace $0x9FFFFFFF  }
0xc3: {  	(tm) =	ssettm $0x7FFFFFFF  }
tec
execute0_lowered:
.L_overlay_start_1:
0x0: {  	(tag) =	ssettag $0x1  }
0x1: {  	s6 =	rddreg [dreg:$0x0]  }
0x2: {  	s1 =	rddreg [dreg:$0x1]  }
0x3: {  	s3 =	rddreg [dreg:$0x2];
	s2 =	srdreg.scid  }
0x4: {  	s0 =	rddreg [dreg:$0x3];
	s4 =	simm.s32 $0x0;
	s13 =	simm.s32 $0x2800  }
0x5: {  	s14 =	simm.s32 $0x2A00;
	s15 =	simm.s32 $0x2880;
	s16 =	simm.s32 $0x6A00  }
0x6: {  	s17 =	simm.s32 $0x1;
	s18 =	simm.s32 $0x2900;
	s19 =	simm.s32 $0x2  }
0x7: {  	s20 =	simm.s32 $0x2980;
	s7 =	sand.u32 $0x1, s2;
	s2 =	stileid.u32  }
0x8: {  	s21 =	simm.s32 $0x0;
	[smem:$0x7FF] =	sst s4;
	s5 =	smul.u32 $0x140000, s7  }
0x9: {  	s8 =	sshll.u32 s2, $0x1;
	s9 =	smul.u32 $0x14000, s2;
	_ =	strace $0x8000004A  }
0xa: {  	s10 =	smul.u32 $0x50000, s2;
	s31 =	ssub.s32 $0x2, s7;
	s8 =	sor.u32 s7, s8  }
0xb: {  	s11 =	sshll.u32 s2, $0x6;
	s7 =	sshrl.u32 s31, $0x1;
	s8 =	smul.u32 $0x500, s8  }
0xc: {  	s9 =	sadd.s32 s9, s5;
	s5 =	sadd.s32 $0xC800, s6;
	s10 =	sshrl.u32 s10, $0x2  }
0xd: {  	s12 =	ssub.s32 s31, s7;
	s9 =	sshrl.u32 s9, $0x3;
	s10 =	sadd.s32 s10, s3  }
0xe: {  	s8 =	sadd.s32 s8, s6;
	s9 =	sadd.s32 s9, s6;
	s6 =	sor.u32 $0x1C03, s11  }
0xf: {  	s10 =	sshrl.u32 s10, $0x3;
	s11 =	simm.s32 $0x3;
	s7 =	sadd.s32 $0x2800, s8  }
0x10: {  	s8 =	sadd.s32 $0x34800, s9;
	s9 =	smax.u32 s12, $0x1;
	s12 =	simm.s32 $0x80  }
.LBB2_1:
0x11: {  	[spmem:s10], [sflag:s6] =	dma.local [hbm:s1], $0x2800  }
0x12: {  	_ =	swait.ge [sflag:s11], $0x2800  }
0x13: {  	[sflag:s11] =	ssyncset.done $0x0  }
0x14: {  	[sflag:s11] =	ssyncadd.s32 $0xFFFFD800  }
0x15: {  	[tilespmem:s4], [sflag:$0x3] =	stream.linear.gather [hbm4b:s7+s4], $0x2800, $0x38;
	[tilespmem:$0x1EA00] =	vst v63  }
0x16: {  	_ =	swait.ge [sflag:s11], $0x2800  }
0x17: {  	[sflag:s11] =	ssyncset.done $0x0  }
0x18: {  	[sflag:s11] =	ssyncadd.s32 $0xFFFFD800  }
0x19: {  	[bflag:$0x0] =	sbarrier.arrive $0xFFFF  }
0x1a: {  	v0 =	vld [tilespmem:$0x0];
	_ =	sdelay $0x1  }
0x1b: {  	v1 =	vld [tilespmem:$0x10];
	_ =	sdelay $0x1  }
0x1c: {  	v2 =	vld [tilespmem:$0x20]  }
0x1d: {  	v3 =	vand.u32 $0xFFFF, v0  }
0x1e: {  	v0 =	vshrl.u32 v0, $0x10;
	[tilespmem:$0x2800] =	vst v3;
	v3 =	vld [tilespmem:$0x30]  }
0x1f: {  	[tilespmem:$0x2900] =	vst v0;
	v0 =	vand.u32 $0xFFFF, v1  }
0x20: {  	[tilespmem:$0x2810] =	vst v0;
	v0 =	vshrl.u32 v1, $0x10;
	v1 =	vld [tilespmem:$0x40]  }
0x21: {  	[tilespmem:$0x2910] =	vst v0;
	v0 =	vand.u32 $0xFFFF, v2  }
0x22: {  	[tilespmem:$0x2820] =	vst v0;
	v0 =	vshrl.u32 v2, $0x10;
	v2 =	vld [tilespmem:$0x50]  }
0x23: {  	[tilespmem:$0x2920] =	vst v0;
	v0 =	vand.u32 $0xFFFF, v3  }
0x24: {  	[tilespmem:$0x2830] =	vst v0;
	v0 =	vshrl.u32 v3, $0x10;
	v3 =	vld [tilespmem:$0x60]  }
0x25: {  	[tilespmem:$0x2930] =	vst v0;
	v0 =	vand.u32 $0xFFFF, v1  }
0x26: {  	[tilespmem:$0x2840] =	vst v0;
	v0 =	vshrl.u32 v1, $0x10;
	v1 =	vld [tilespmem:$0x70]  }
0x27: {  	[tilespmem:$0x2940] =	vst v0;
	v0 =	vand.u32 $0xFFFF, v2  }
0x28: {  	[tilespmem:$0x2850] =	vst v0;
	v0 =	vshrl.u32 v2, $0x10  }
0x29: {  	[tilespmem:$0x2950] =	vst v0;
	v0 =	vand.u32 $0xFFFF, v3  }
0x2a: {  	[tilespmem:$0x2860] =	vst v0;
	v0 =	vshrl.u32 v3, $0x10  }
0x2b: {  	[tilespmem:$0x2960] =	vst v0;
	v0 =	vand.u32 $0xFFFF, v1  }
0x2c: {  	[tilespmem:$0x2870] =	vst v0;
	v0 =	vshrl.u32 v1, $0x10  }
0x2d: {  	s22 =	simm.s32 $0x0;
	[tilespmem:$0x2970] =	vst v0  }
0x2e: {  	[tilespmem:s14], [sflag:$0x1] =	stream.indirect.gather [hbm4b:s5+s12], $0x80, s13, s12, $0xb8;
	[tilespmem:$0x1EA00] =	vst v63  }
0x2f: {  	v0 =	vld [tilespmem:s22+$0x80];
	_ =	sdelay $0x4  }
0x30: {  	v1 =	vand.u32 $0xFFFF, v0  }
0x31: {  	v0 =	vshrl.u32 v0, $0x10;
	[tilespmem:$0x2880] =	vst v1  }
0x32: {  	[tilespmem:$0x2980] =	vst v0  }
0x33: {  	v0 =	vld [tilespmem:s22+$0x90];
	_ =	sdelay $0x4  }
0x34: {  	v1 =	vand.u32 $0xFFFF, v0  }
0x35: {  	v0 =	vshrl.u32 v0, $0x10;
	[tilespmem:$0x2890] =	vst v1  }
0x36: {  	[tilespmem:$0x2990] =	vst v0  }
0x37: {  	v0 =	vld [tilespmem:s22+$0xA0];
	_ =	sdelay $0x4  }
0x38: {  	v1 =	vand.u32 $0xFFFF, v0  }
0x39: {  	v0 =	vshrl.u32 v0, $0x10;
	[tilespmem:$0x28A0] =	vst v1  }
0x3a: {  	[tilespmem:$0x29A0] =	vst v0  }
0x3b: {  	v0 =	vld [tilespmem:s22+$0xB0];
	_ =	sdelay $0x4  }
0x3c: {  	v1 =	vand.u32 $0xFFFF, v0  }
0x3d: {  	v0 =	vshrl.u32 v0, $0x10;
	[tilespmem:$0x28B0] =	vst v1  }
0x3e: {  	[tilespmem:$0x29B0] =	vst v0  }
0x3f: {  	v0 =	vld [tilespmem:s22+$0xC0];
	_ =	sdelay $0x4  }
0x40: {  	v1 =	vand.u32 $0xFFFF, v0  }
0x41: {  	v0 =	vshrl.u32 v0, $0x10;
	[tilespmem:$0x28C0] =	vst v1  }
0x42: {  	[tilespmem:$0x29C0] =	vst v0  }
0x43: {  	v0 =	vld [tilespmem:s22+$0xD0];
	_ =	sdelay $0x4  }
0x44: {  	v1 =	vand.u32 $0xFFFF, v0  }
0x45: {  	v0 =	vshrl.u32 v0, $0x10;
	[tilespmem:$0x28D0] =	vst v1  }
0x46: {  	[tilespmem:$0x29D0] =	vst v0  }
0x47: {  	v0 =	vld [tilespmem:s22+$0xE0];
	_ =	sdelay $0x4  }
0x48: {  	v1 =	vand.u32 $0xFFFF, v0  }
0x49: {  	v0 =	vshrl.u32 v0, $0x10;
	[tilespmem:$0x28E0] =	vst v1  }
0x4a: {  	[tilespmem:$0x29E0] =	vst v0  }
0x4b: {  	v0 =	vld [tilespmem:s22+$0xF0];
	_ =	sdelay $0x4  }
0x4c: {  	v1 =	vand.u32 $0xFFFF, v0  }
0x4d: {  	v0 =	vshrl.u32 v0, $0x10;
	[tilespmem:$0x28F0] =	vst v1  }
0x4e: {  	[tilespmem:$0x29F0] =	vst v0  }
0x4f: {  	[tilespmem:s16], [sflag:$0x2] =	stream.indirect.gather [hbm4b:s5+s12], $0x80, s15, s12, $0xb8;
	[tilespmem:$0x1EA00] =	vst v63  }
0x50: {  	_ =	swait.ge [sflag:s17], $0x4000  }
0x51: {  	[sflag:s17] =	ssyncset.done $0x0  }
0x52: {  	[sflag:s17] =	ssyncadd.s32 $0xFFFFC000  }
0x53: {  	[spmem:s3] =	stream.indirect.scatter.add.f32 [tilespmem:s14], [sflag:$0x3], $0x80, s18, s12, $0xb8;
	[tilespmem:$0x1EA00] =	vst v63  }
0x54: {  	_ =	swait.ge [sflag:s11], $0x4000  }
0x55: {  	p1 =	por $0x0, $0x0;
	[sflag:s11] =	ssyncset.done $0x0  }
0x56: {  	s23 =	simm.s32 @!p1 $0x0;
	[sflag:s11] =	ssyncadd.s32 $0xFFFFC000  }
0x57: {  	v0 =	vld @!p1 [tilespmem:s23+$0x100];
	_ =	sdelay $0x4  }
0x58: {  	v1 =	vand.u32 @!p1 $0xFFFF, v0  }
0x59: {  	v0 =	vshrl.u32 @!p1 v0, $0x10;
	[tilespmem:$0x2800] =	vst @!p1 v1  }
0x5a: {  	[tilespmem:$0x2900] =	vst @!p1 v0  }
0x5b: {  	v0 =	vld @!p1 [tilespmem:s23+$0x110];
	_ =	sdelay $0x4  }
0x5c: {  	v1 =	vand.u32 @!p1 $0xFFFF, v0  }
0x5d: {  	v0 =	vshrl.u32 @!p1 v0, $0x10;
	[tilespmem:$0x2810] =	vst @!p1 v1  }
0x5e: {  	[tilespmem:$0x2910] =	vst @!p1 v0  }
0x5f: {  	v0 =	vld @!p1 [tilespmem:s23+$0x120];
	_ =	sdelay $0x4  }
0x60: {  	v1 =	vand.u32 @!p1 $0xFFFF, v0  }
0x61: {  	v0 =	vshrl.u32 @!p1 v0, $0x10;
	[tilespmem:$0x2820] =	vst @!p1 v1  }
0x62: {  	[tilespmem:$0x2920] =	vst @!p1 v0  }
0x63: {  	v0 =	vld @!p1 [tilespmem:s23+$0x130];
	_ =	sdelay $0x4  }
0x64: {  	v1 =	vand.u32 @!p1 $0xFFFF, v0  }
0x65: {  	v0 =	vshrl.u32 @!p1 v0, $0x10;
	[tilespmem:$0x2830] =	vst @!p1 v1  }
0x66: {  	[tilespmem:$0x2930] =	vst @!p1 v0  }
0x67: {  	v0 =	vld @!p1 [tilespmem:s23+$0x140];
	_ =	sdelay $0x4  }
0x68: {  	v1 =	vand.u32 @!p1 $0xFFFF, v0  }
0x69: {  	v0 =	vshrl.u32 @!p1 v0, $0x10;
	[tilespmem:$0x2840] =	vst @!p1 v1  }
0x6a: {  	[tilespmem:$0x2940] =	vst @!p1 v0  }
0x6b: {  	v0 =	vld @!p1 [tilespmem:s23+$0x150];
	_ =	sdelay $0x4  }
0x6c: {  	v1 =	vand.u32 @!p1 $0xFFFF, v0  }
0x6d: {  	v0 =	vshrl.u32 @!p1 v0, $0x10;
	[tilespmem:$0x2850] =	vst @!p1 v1  }
0x6e: {  	[tilespmem:$0x2950] =	vst @!p1 v0  }
0x6f: {  	v0 =	vld @!p1 [tilespmem:s23+$0x160];
	_ =	sdelay $0x4  }
0x70: {  	s25 =	simm.s32 @!p1 $0x80;
	v1 =	vand.u32 @!p1 $0xFFFF, v0  }
0x71: {  	s26 =	simm.s32 @!p1 $0x2800;
	s28 =	simm.s32 @!p1 $0x2A00;
	s22 =	simm.s32 $0x400;
	v0 =	vshrl.u32 @!p1 v0, $0x10;
	[tilespmem:$0x2860] =	vst @!p1 v1  }
.LBB2_2:
0x72: {  	[tilespmem:$0x2960] =	vst @!p1 v0;
	s24 =	smov.u32 s22;
	s22 =	sadd.s32 $0x400, s22  }
0x73: {  	p0 =	sne.s32 s22, $0xA000;
	v0 =	vld @!p1 [tilespmem:s23+$0x170];
	_ =	sdelay $0x4  }
0x74: {  	v1 =	vand.u32 @!p1 $0xFFFF, v0;
	v0 =	vshrl.u32 @!p1 v0, $0x10  }
0x75: {  	[tilespmem:$0x2870] =	vst @!p1 v1  }
0x76: {  	[tilespmem:$0x2970] =	vst @!p1 v0  }
0x77: {  	[tilespmem:s28], [sflag:$0x1] =	stream.indirect.gather @!p1 [hbm4b:s5+s25], $0x80, s26, s25, $0xb8;
	[tilespmem:$0x1EA00] =	vst v63  }
0x78: {  	_ =	swait.ge [sflag:s19], $0x4000  }
0x79: {  	[sflag:s19] =	ssyncset.done $0x0  }
0x7a: {  	[sflag:s19] =	ssyncadd.s32 $0xFFFFC000  }
0x7b: {  	[spmem:s3] =	stream.indirect.scatter.add.f32 [tilespmem:s16], [sflag:$0x3], $0x80, s20, s12, $0xb8;
	[tilespmem:$0x1EA00] =	vst v63  }
0x7c: {  	_ =	swait.ge [sflag:s11], $0x4000  }
0x7d: {  	[sflag:s11] =	ssyncset.done $0x0  }
0x7e: {  	s23 =	sshra.s32 s24, $0x2;
	[sflag:s11] =	ssyncadd.s32 $0xFFFFC000  }
0x7f: {  	v0 =	vld [tilespmem:s23+$0x80];
	_ =	sdelay $0x4  }
0x80: {  	v1 =	vand.u32 $0xFFFF, v0;
	v0 =	vshrl.u32 v0, $0x10  }
0x81: {  	[tilespmem:$0x2880] =	vst v1  }
0x82: {  	[tilespmem:$0x2980] =	vst v0  }
0x83: {  	v0 =	vld [tilespmem:s23+$0x90];
	_ =	sdelay $0x4  }
0x84: {  	v1 =	vand.u32 $0xFFFF, v0;
	v0 =	vshrl.u32 v0, $0x10  }
0x85: {  	[tilespmem:$0x2890] =	vst v1  }
0x86: {  	[tilespmem:$0x2990] =	vst v0  }
0x87: {  	v0 =	vld [tilespmem:s23+$0xA0];
	_ =	sdelay $0x4  }
0x88: {  	v1 =	vand.u32 $0xFFFF, v0;
	v0 =	vshrl.u32 v0, $0x10  }
0x89: {  	[tilespmem:$0x28A0] =	vst v1  }
0x8a: {  	[tilespmem:$0x29A0] =	vst v0  }
0x8b: {  	v0 =	vld [tilespmem:s23+$0xB0];
	_ =	sdelay $0x4  }
0x8c: {  	v1 =	vand.u32 $0xFFFF, v0;
	v0 =	vshrl.u32 v0, $0x10  }
0x8d: {  	[tilespmem:$0x28B0] =	vst v1  }
0x8e: {  	[tilespmem:$0x29B0] =	vst v0  }
0x8f: {  	v0 =	vld [tilespmem:s23+$0xC0];
	_ =	sdelay $0x4  }
0x90: {  	v1 =	vand.u32 $0xFFFF, v0;
	v0 =	vshrl.u32 v0, $0x10  }
0x91: {  	[tilespmem:$0x28C0] =	vst v1  }
0x92: {  	[tilespmem:$0x29C0] =	vst v0  }
0x93: {  	v0 =	vld [tilespmem:s23+$0xD0];
	_ =	sdelay $0x4  }
0x94: {  	v1 =	vand.u32 $0xFFFF, v0;
	v0 =	vshrl.u32 v0, $0x10  }
0x95: {  	[tilespmem:$0x28D0] =	vst v1  }
0x96: {  	[tilespmem:$0x29D0] =	vst v0  }
0x97: {  	v0 =	vld [tilespmem:s23+$0xE0];
	_ =	sdelay $0x4  }
0x98: {  	v1 =	vand.u32 $0xFFFF, v0;
	v0 =	vshrl.u32 v0, $0x10  }
0x99: {  	[tilespmem:$0x28E0] =	vst v1  }
0x9a: {  	[tilespmem:$0x29E0] =	vst v0  }
0x9b: {  	v0 =	vld [tilespmem:s23+$0xF0];
	_ =	sdelay $0x4  }
0x9c: {  	v1 =	vand.u32 $0xFFFF, v0;
	v0 =	vshrl.u32 v0, $0x10  }
0x9d: {  	p1 =	seq.s32 s24, $0x9C00;
	[tilespmem:$0x28F0] =	vst v1  }
0x9e: {  	s23 =	sshra.s32 @!p1 s24, $0x2;
	[tilespmem:$0x29F0] =	vst v0  }
0x9f: {  	[tilespmem:s16], [sflag:$0x2] =	stream.indirect.gather [hbm4b:s5+s12], $0x80, s15, s12, $0xb8;
	[tilespmem:$0x1EA00] =	vst v63  }
0xa0: {  	_ =	swait.ge [sflag:s17], $0x4000  }
0xa1: {  	[sflag:s17] =	ssyncset.done $0x0  }
0xa2: {  	[sflag:s17] =	ssyncadd.s32 $0xFFFFC000  }
0xa3: {  	[spmem:s3] =	stream.indirect.scatter.add.f32 [tilespmem:s14], [sflag:$0x3], $0x80, s18, s12, $0xb8;
	[tilespmem:$0x1EA00] =	vst v63  }
0xa4: {  	_ =	swait.ge [sflag:s11], $0x4000  }
0xa5: {  	[sflag:s11] =	ssyncset.done $0x0  }
0xa6: {  	[sflag:s11] =	ssyncadd.s32 $0xFFFFC000  }
0xa7: {  	v0 =	vld @!p1 [tilespmem:s23+$0x100];
	_ =	sdelay $0x4  }
0xa8: {  	v1 =	vand.u32 @!p1 $0xFFFF, v0;
	v0 =	vshrl.u32 @!p1 v0, $0x10  }
0xa9: {  	[tilespmem:$0x2800] =	vst @!p1 v1  }
0xaa: {  	[tilespmem:$0x2900] =	vst @!p1 v0  }
0xab: {  	v0 =	vld @!p1 [tilespmem:s23+$0x110];
	_ =	sdelay $0x4  }
0xac: {  	v1 =	vand.u32 @!p1 $0xFFFF, v0;
	v0 =	vshrl.u32 @!p1 v0, $0x10  }
0xad: {  	[tilespmem:$0x2810] =	vst @!p1 v1  }
0xae: {  	[tilespmem:$0x2910] =	vst @!p1 v0  }
0xaf: {  	v0 =	vld @!p1 [tilespmem:s23+$0x120];
	_ =	sdelay $0x4  }
0xb0: {  	v1 =	vand.u32 @!p1 $0xFFFF, v0;
	v0 =	vshrl.u32 @!p1 v0, $0x10  }
0xb1: {  	[tilespmem:$0x2820] =	vst @!p1 v1  }
0xb2: {  	[tilespmem:$0x2920] =	vst @!p1 v0  }
0xb3: {  	v0 =	vld @!p1 [tilespmem:s23+$0x130];
	_ =	sdelay $0x4  }
0xb4: {  	v1 =	vand.u32 @!p1 $0xFFFF, v0;
	v0 =	vshrl.u32 @!p1 v0, $0x10  }
0xb5: {  	[tilespmem:$0x2830] =	vst @!p1 v1  }
0xb6: {  	[tilespmem:$0x2930] =	vst @!p1 v0  }
0xb7: {  	v0 =	vld @!p1 [tilespmem:s23+$0x140];
	_ =	sdelay $0x4  }
0xb8: {  	v1 =	vand.u32 @!p1 $0xFFFF, v0;
	v0 =	vshrl.u32 @!p1 v0, $0x10  }
0xb9: {  	[tilespmem:$0x2840] =	vst @!p1 v1  }
0xba: {  	[tilespmem:$0x2940] =	vst @!p1 v0  }
0xbb: {  	v0 =	vld @!p1 [tilespmem:s23+$0x150];
	_ =	sdelay $0x4  }
0xbc: {  	v1 =	vand.u32 @!p1 $0xFFFF, v0;
	v0 =	vshrl.u32 @!p1 v0, $0x10  }
0xbd: {  	[tilespmem:$0x2850] =	vst @!p1 v1  }
0xbe: {  	s25 =	simm.s32 @!p1 $0x80;
	s26 =	simm.s32 @!p1 $0x2800;
	s28 =	simm.s32 @!p1 $0x2A00;
	[tilespmem:$0x2950] =	vst @!p1 v0  }
0xbf: {  	v0 =	vld @!p1 [tilespmem:s23+$0x160];
	_ =	sdelay $0x1  }
.Ltmp0:
0xc0: {  	(pc) =	sbr.rel @p0 .LBB2_2-.Ltmp0, $3  }
0xc1: {  	_ =	sdelay $0x1  }
0xc2: {  	v1 =	vand.u32 @!p1 $0xFFFF, v0;
	v0 =	vshrl.u32 @!p1 v0, $0x10  }
0xc3: {  	[tilespmem:$0x2860] =	vst @!p1 v1  }
0xc4: {  	[tilespmem:$0x2960] =	vst @!p1 v0  }
0xc5: {  	v0 =	vld @!p1 [tilespmem:s23+$0x170];
	_ =	sdelay $0x4  }
0xc6: {  	v1 =	vand.u32 @!p1 $0xFFFF, v0  }
0xc7: {  	v0 =	vshrl.u32 @!p1 v0, $0x10;
	[tilespmem:$0x2870] =	vst @!p1 v1  }
0xc8: {  	[tilespmem:$0x2970] =	vst @!p1 v0  }
0xc9: {  	[tilespmem:s28], [sflag:$0x1] =	stream.indirect.gather @!p1 [hbm4b:s5+s25], $0x80, s26, s25, $0xb8;
	[tilespmem:$0x1EA00] =	vst v63  }
0xca: {  	_ =	swait.ge [sflag:s19], $0x4000  }
0xcb: {  	[sflag:s19] =	ssyncset.done $0x0  }
0xcc: {  	[sflag:s19] =	ssyncadd.s32 $0xFFFFC000  }
0xcd: {  	[spmem:s3] =	stream.indirect.scatter.add.f32 [tilespmem:s16], [sflag:$0x3], $0x80, s20, s12, $0xb8;
	[tilespmem:$0x1EA00] =	vst v63  }
0xce: {  	_ =	swait.ge [sflag:s11], $0x4000  }
0xcf: {  	s21 =	sadd.s32 $0x1, s21;
	[sflag:s11] =	ssyncset.done $0x0  }
0xd0: {  	p0 =	sne.s32 s21, s9;
	[sflag:s11] =	ssyncadd.s32 $0xFFFFC000  }
.Ltmp1:
0xd1: {  	[bflag:$0x0] =	sbarrier.arrive $0xFFFF;
	(pc) =	sbr.rel @p0 .LBB2_1-.Ltmp1, $4  }
0xd2: {  	[hbm:s8], [sflag:s6] =	dma.local [spmem:s10], $0x2800  }
0xd3: {  	_ =	swait.ge [sflag:s11], $0x2800  }
0xd4: {  	[sflag:s11] =	ssyncset.done $0x0  }
0xd5: {  	[sflag:s11] =	ssyncadd.s32 $0xFFFFD800  }
0xd6: {  	_ =	sfence.sel $0x180000  }
0xd7: {  	[bflag:$0x0] =	sbarrier.arrive $0xFFFF  }
0xd8: {  	p0 =	sne.s32 s2, $0x0;
	_ =	strace $0x9000004A  }
0xd9: {  	s0 =	sadd.s32 @!p0 $0x100000, s0;
	[bflag:$0x2] =	sbarrier.arrive $0xFFFF  }
0xda: {  	[sflag:s0] =	ssyncadd.tile.s32 @!p0 $0x1;
	_ =	shalt  }
.Lfunc_end2:
_tile_overlayer_lowered:
.L_overlay_start_2:
0xdb: {  	(tag) =	ssettag $0x2  }
0xdc: {  	s0 =	rddreg [dreg:$0x0];
	s2 =	stileid.u32  }
0xdd: {  	s1 =	rddreg [dreg:$0x1];
	p0 =	sne.s32 s2, $0x0  }
0xde: {  	s3 =	rddreg [dreg:$0x2];
	[bflag:$0x3] =	sbarrier.arrive $0xFFFF;
	s2 =	simm.s32 @!p0 $0x1C03  }
0xdf: {  	[timem:s3], [sflag:s2] =	dma.local @!p0 [hbm:s0], s1  }
0xe0: {  	s0 =	simm.s32 @!p0 $0x3  }
0xe1: {  	_ =	swait.ge @!p0 [sflag:s0], s1  }
0xe2: {  	s1 =	ssub.s32 @!p0 $0x0, s1;
	[sflag:s0] =	ssyncset.done @!p0 $0x0  }
0xe3: {  	[sflag:s0] =	ssyncadd.s32 @!p0 s1  }
0xe4: {  	[bflag:$0x3] =	sbarrier.arrive $0xFFFF  }
0xe5: {  	_ =	shalt  }

// kernel: kernel.7.cloned.1.call-start
scs
__scs_entry_jumppad:
0x0: {  	(pc) =	sbr.rel $0x88, $3  }
0x1: {  	(tag) =	ssettag $0x0;
	lr =	simm.s32 $0x1  }
0x2: {  	[smem:$0x3F9D] =	sst lr;
	_ =	strace $0xD0000000  }
0x3: {  	_ = 	snop  }
0x4: {  	_ = 	snop  }
0x5: {  	_ = 	snop  }
0x6: {  	_ = 	snop  }
0x7: {  	_ = 	snop  }
__scs_overlays_trampoline_lowered:
0x8: {  	[smem:$0x3FAC] =	sst s0  }
0x9: {  	[smem:$0x3FAD] =	sst s1  }
0xa: {  	[smem:$0x3FAE] =	sst s2  }
0xb: {  	[smem:$0x3FAF] =	sst s3  }
0xc: {  	[smem:$0x3FB0] =	sst s4  }
0xd: {  	[smem:$0x3FB1] =	sst s5  }
0xe: {  	[smem:$0x3FB2] =	sst s6  }
0xf: {  	[smem:$0x3FB3] =	sst s7  }
0x10: {  	[smem:$0x3FB4] =	sst s8  }
0x11: {  	[smem:$0x3FB5] =	sst s9;
	s0 =	simm.s32 @!p0 $0x0  }
0x12: {  	s1 =	sld [smem:$0x3F9B];
	s0 =	simm.s32 @p0 $0x1  }
0x13: {  	[smem:$0x3FB6] =	sst s0;
	s0 =	simm.s32 @!p1 $0x0  }
0x14: {  	s2 =	sld [smem:$0x3F9A];
	s0 =	simm.s32 @p1 $0x1  }
0x15: {  	[smem:$0x3FB7] =	sst s0;
	s0 =	simm.s32 @!p2 $0x0  }
0x16: {  	s3 =	sld [smem:$0x3FDB];
	s0 =	simm.s32 @p2 $0x1  }
0x17: {  	s4 =	simm.s32 $0x1BF5;
	[smem:$0x3FB9] =	sst s0  }
0x18: {  	s0 =	sld [smem:$0x3F9C];
	_ =	swait.ge [sflag:s4], $0x0  }
0x19: {  	s7 =	sld [smem:$0x3F9D]  }
0x1a: {  	s8 =	sadd.s32 $0xFFFFE003, lr  }
0x1b: {  	s9 =	sadd.s32 $0xFFFFFEF7, lr;
	s5 =	simm.s32 $0xFFFFFFFF;
	p2 =	slt.u32 s8, $0xFFFFF086  }
0x1c: {  	p1 =	slt.u32 s9, $0xF7A;
	s5 =	simm.s32 @!p2 $0x0  }
0x1d: {  	s5 =	simm.s32 @p1 $0x1;
	p0 =	seq.s32 s7, s2  }
0x1e: {  	s7 =	smul.u32 @!p0 $0xF7A, s2;
	p2 =	seq.s32 @!p0 s5, $0x0  }
0x1f: {  	s9 =	smul.u32 $0xF7A, s1;
	s8 =	simm.s32 @!p0 $0x1BF5;
	p2 =	por !p2, p0  }
0x20: {  	[sflag:s8] =	ssyncset.s32 @!p0 $0xFFFFF086;
	s6 =	sadd.s32 @!p0 s3, s7;
	s7 =	simm.s32 @!p0 $0x108  }
0x21: {  	s3 =	sadd.s32 s3, s9;
	s6 =	sadd.s32 @!p0 $0x88, s6;
	s7 =	simm.s32 @p2 $0x1082  }
0x22: {  	[simem:s7], [sflag:s8] =	dma.local @!p0 [hbm:s6], $0xF7A  }
0x23: {  	s9 =	sor.u32 $0xD0000000, s2;
	s6 =	simm.s32 $0x108;
	_ =	swait.ge @!p0 [sflag:s8], $0x0  }
0x24: {  	s3 =	sadd.s32 $0x88, s3;
	s6 =	simm.s32 @!p1 $0x1082;
	[sflag:s4] =	ssyncset.s32 $0xFFFFF086  }
0x25: {  	[simem:s6], [sflag:s4] =	dma.local [hbm:s3], $0xF7A  }
0x26: {  	[smem:$0x3F9D] =	sst s1;
	(tag) =	ssettag s2;
	_ =	strace s9  }
0x27: {  	s1 =	sld [smem:$0x3FAD]  }
0x28: {  	s2 =	sld [smem:$0x3FAE]  }
0x29: {  	s4 =	sld [smem:$0x3FB0]  }
0x2a: {  	p0 =	seq.s32 s5, $0x0;
	s5 =	sld [smem:$0x3FB1]  }
0x2b: {  	s6 =	sld [smem:$0x3FB2]  }
0x2c: {  	s7 =	sld [smem:$0x3FB3]  }
0x2d: {  	s3 =	simm.s32 $0x108;
	s8 =	sld [smem:$0x3FB4]  }
0x2e: {  	s3 =	simm.s32 @!p0 $0x1082;
	s9 =	sld [smem:$0x3FB5]  }
0x2f: {  	lr =	sadd.s32 s0, s3;
	s0 =	sld [smem:$0x3FAC]  }
0x30: {  	s3 =	sld [smem:$0x3FAF]  }
0x31: {  	[smem:$0x3FB8] =	sst s10  }
0x32: {  	s10 =	sld [smem:$0x3FB6];
	_ =	sdelay $0x3  }
0x33: {  	p0 =	seq.s32 s10, $0x1;
	s10 =	sld [smem:$0x3FB8];
	_ =	sdelay $0x3  }
0x34: {  	[smem:$0x3FB8] =	sst s10  }
0x35: {  	s10 =	sld [smem:$0x3FB7];
	_ =	sdelay $0x3  }
0x36: {  	p1 =	seq.s32 s10, $0x1;
	s10 =	sld [smem:$0x3FB8];
	_ =	sdelay $0x3  }
0x37: {  	[smem:$0x3FB8] =	sst s10  }
0x38: {  	s10 =	sld [smem:$0x3FB9]  }
0x39: {  	_ = 	snop;
	(pc) =	sbr.ind lr, $3  }
0x3a: {  	_ = 	snop  }
0x3b: {  	_ = 	snop  }
0x3c: {  	p2 =	seq.s32 s10, $0x1;
	s10 =	sld [smem:$0x3FB8]  }
0x3d: {  	_ =	shalt  }
0x3e: {  	_ =	shalt  }
0x3f: {  	_ =	shalt  }
0x40: {  	_ =	shalt  }
0x41: {  	_ =	shalt  }
0x42: {  	_ =	shalt  }
0x43: {  	_ =	shalt  }
0x44: {  	_ =	shalt  }
0x45: {  	_ =	shalt  }
0x46: {  	_ =	shalt  }
0x47: {  	_ =	shalt  }
0x48: {  	_ =	shalt  }
0x49: {  	_ =	shalt  }
0x4a: {  	_ =	shalt  }
0x4b: {  	_ =	shalt  }
0x4c: {  	_ =	shalt  }
0x4d: {  	_ =	shalt  }
0x4e: {  	_ =	shalt  }
0x4f: {  	_ =	shalt  }
0x50: {  	_ =	shalt  }
0x51: {  	_ =	shalt  }
0x52: {  	_ =	shalt  }
0x53: {  	_ =	shalt  }
0x54: {  	_ =	shalt  }
0x55: {  	_ =	shalt  }
0x56: {  	_ =	shalt  }
0x57: {  	_ =	shalt  }
0x58: {  	_ =	shalt  }
0x59: {  	_ =	shalt  }
0x5a: {  	_ =	shalt  }
0x5b: {  	_ =	shalt  }
0x5c: {  	_ =	shalt  }
0x5d: {  	_ =	shalt  }
0x5e: {  	_ =	shalt  }
0x5f: {  	_ =	shalt  }
0x60: {  	_ =	shalt  }
0x61: {  	_ =	shalt  }
0x62: {  	_ =	shalt  }
0x63: {  	_ =	shalt  }
0x64: {  	_ =	shalt  }
0x65: {  	_ =	shalt  }
0x66: {  	_ =	shalt  }
0x67: {  	_ =	shalt  }
0x68: {  	_ =	shalt  }
0x69: {  	_ =	shalt  }
0x6a: {  	_ =	shalt  }
0x6b: {  	_ =	shalt  }
0x6c: {  	_ =	shalt  }
0x6d: {  	_ =	shalt  }
0x6e: {  	_ =	shalt  }
0x6f: {  	_ =	shalt  }
0x70: {  	_ =	shalt  }
0x71: {  	_ =	shalt  }
0x72: {  	_ =	shalt  }
0x73: {  	_ =	shalt  }
0x74: {  	_ =	shalt  }
0x75: {  	_ =	shalt  }
0x76: {  	_ =	shalt  }
0x77: {  	_ =	shalt  }
0x78: {  	_ =	shalt  }
0x79: {  	_ =	shalt  }
0x7a: {  	_ =	shalt  }
0x7b: {  	_ =	shalt  }
0x7c: {  	_ =	shalt  }
0x7d: {  	_ =	shalt  }
0x7e: {  	_ =	shalt  }
0x7f: {  	_ =	shalt  }
0x80: {  	_ =	shalt  }
0x81: {  	_ =	shalt  }
0x82: {  	_ =	shalt  }
0x83: {  	_ =	shalt  }
0x84: {  	_ =	shalt  }
0x85: {  	_ =	shalt  }
0x86: {  	_ =	shalt  }
0x87: {  	_ =	shalt  }
.Lfunc_end0:
.L_simem_size_0:
called_computation_lowered:
.L_overlay_start_0:
0x88: {  	s2 =	sld [smem:$0x3FD9]  }
0x89: {  	s3 =	sld [smem:$0x3FFE];
	_ =	sdelay $0x1  }
0x8a: {  	s1 =	srdreg.scid  }
0x8b: {  	s0 =	sand.u32 $0x1, s1  }
0x8c: {  	s17 =	sshll.u32 s0, $0xA;
	s2 =	sadd.s32 s3, s2  }
0x8d: {  	s2 =	sadd.s32 s2, s17  }
0x8e: {  	[smem:$0x3FC4] =	sst s2  }
0x8f: {  	_ = 	snop  }
0x90: {  	s2 =	sld [smem:$0x3FD0];
	(tm) =	ssettm $0x1  }
0x91: {  	s18 =	sld [smem:$0x3FFB];
	_ =	sdelay $0x3  }
0x92: {  	_ =	strace s18  }
0x93: {  	s3 =	sld [smem:$0x3FFC];
	_ =	sdelay $0x3  }
0x94: {  	_ =	strace s3  }
0x95: {  	s3 =	sld [smem:$0x3FFD];
	_ =	sdelay $0x3  }
0x96: {  	_ =	strace s3  }
0x97: {  	_ =	strace $0x8FFFFFFF  }
0x98: {  	s19 =	sld [smem:$0x3FDB];
	_ =	sdelay $0x1  }
0x99: {  	s4 =	simm.s32 $_scs_section_size  }
0x9a: {  	s5 =	simm.s32 $_size__tile_overlayer_lowered;
	s6 =	simm.s32 $_tile_overlayer_lowered  }
0x9b: {  	s22 =	simm.s32 $0x1BFF;
	s21 =	sshll.u32 s6, $0x1;
	s3 =	sadd.s32 s4, s19  }
0x9c: {  	s7 =	simm.s32 $0x0;
	s20 =	sshll.u32 s5, $0x1;
	s5 =	sadd.s32 s21, s3  }
0x9d: {  	[timem:s7], [sflag:s22] =	dma.local [hbm:s5], s20  }
0x9e: {  	_ =	swait.ge [sflag:s22], s20  }
0x9f: {  	s4 =	ssub.s32 $0x0, s20;
	[sflag:s22] =	ssyncset.done $0x0  }
0xa0: {  	[sflag:s22] =	ssyncadd.s32 s4;
	_ =	sdelay $0x1  }
0xa1: {  	s23 =	simm.s32 $0x1B8B  }
0xa2: {  	_ =	swait.ge [sflag:s23], $0x1  }
0xa3: {  	[sflag:s23] =	ssyncset.done $0x0  }
0xa4: {  	s25 =	simm.s32 $0x1B8E;
	s24 =	sld [smem:$0x3FFE];
	[sflag:s23] =	ssyncadd.s32 $0xFFFFFFFF  }
0xa5: {  	s26 =	simm.s32 $execute0_lowered;
	[smem:$0x3FD2] =	sst s25  }
0xa6: {  	s5 =	sshll.u32 s26, $0x1;
	_ =	strace $0x80000046;
	[dreg:$0x1] =	wrdreg $0xFFFFFFFF  }
0xa7: {  	s28 =	simm.s32 $_size_execute0_lowered;
	s3 =	sadd.s32 s3, s5;
	[dreg:$0x0] =	wrdreg $0x0  }
0xa8: {  	s5 =	sshll.u32 s28, $0x1;
	[dreg:$0x2] =	wrdreg s3  }
0xa9: {  	[dreg:$0x3] =	wrdreg s5  }
0xaa: {  	[dreg:$0x4] =	wrdreg $0xC0  }
0xab: {  	_ =	task [dreg:s7], $0x5FFFF  }
0xac: {  	[dreg:$0x1] =	wrdreg $0xFFFFFFFF  }
0xad: {  	[dreg:$0x0] =	wrdreg $0x60  }
0xae: {  	[dreg:$0x2] =	wrdreg s2  }
0xaf: {  	[dreg:$0x3] =	wrdreg s24  }
0xb0: {  	[dreg:$0x4] =	wrdreg $0x28800  }
0xb1: {  	[dreg:$0x5] =	wrdreg $0x9  }
0xb2: {  	_ =	task.clear_ibuf [dreg:s7], $0x6FFFF;
	_ =	strace $0x90000046  }
0xb3: {  	s29 =	simm.s32 $0x9;
	_ =	strace $0x80000048  }
0xb4: {  	_ =	swait.ge [sflag:s29], $0x1  }
0xb5: {  	[sflag:s29] =	ssyncadd.s32 $0xFFFFFFFF  }
0xb6: {  	_ =	strace $0x90000048  }
0xb7: {  	_ =	sfence  }
0xb8: {  	s30 =	sld [smem:$0x0];
	_ =	sdelay $0x2  }
0xb9: {  	s31 =	sshll.u32 s1, $0xD;
	s1 =	sshrl.u32 s1, $0x2  }
0xba: {  	s3 =	sand.u32 $0x4000, s31;
	s1 =	sadd.s32 s1, s30  }
0xbb: {  	s0 =	sor.u32 s3, s0;
	s1 =	sshll.u32 s1, $0x11  }
0xbc: {  	s0 =	sor.u32 s1, s0  }
0xbd: {  	s0 =	sadd.s32 $0x8F2B, s0  }
0xbe: {  	[sflag:s0] =	ssyncadd.remote.s32 $0x1  }
0xbf: {  	_ =	sfence.sel $0xFFFF  }
0xc0: {  	[dreg:$0x0] =	wrdreg $0xFFFFFFFF;
	(pc) =	sbr.abs _section_cstart, $3  }
0xc1: {  	[dreg:$0x1] =	wrdreg $0xFFFFFFFF  }
0xc2: {  	_ =	task.clear_ibuf [dreg:s7], $0x2FFFF;
	_ =	strace $0x9FFFFFFF  }
0xc3: {  	(tm) =	ssettm $0x7FFFFFFF  }
tec
execute0_lowered:
.L_overlay_start_1:
0x0: {  	(tag) =	ssettag $0x1  }
0x1: {  	s7 =	rddreg [dreg:$0x0]  }
0x2: {  	s5 =	rddreg [dreg:$0x1]  }
0x3: {  	s2 =	rddreg [dreg:$0x2]  }
0x4: {  	s0 =	rddreg [dreg:$0x3];
	s3 =	simm.s32 $0x0;
	s1 =	stileid.u32  }
0x5: {  	s4 =	srdreg.scid;
	s13 =	simm.s32 $0x80;
	s14 =	simm.s32 $0x20  }
0x6: {  	s15 =	simm.s32 $0x10;
	s16 =	simm.s32 $0x0;
	s6 =	smul.u32 $0x280, s1  }
0x7: {  	[smem:$0x7FF] =	sst s3;
	s8 =	sand.u32 $0x1, s4;
	s9 =	smul.u32 $0x500, s1  }
0x8: {  	s4 =	sadd.s32 $0x1600, s5;
	s26 =	sshll.u32 s1, $0x1;
	s31 =	sshll.u32 s1, $0x6  }
0x9: {  	_ =	strace $0x80000047;
	s11 =	sshll.u32 s8, $0x7;
	s12 =	ssub.s32 $0x2, s8  }
0xa: {  	s8 =	sor.u32 s8, s26;
	s10 =	sshrl.u32 s6, $0x3;
	s9 =	sor.u32 s11, s9  }
0xb: {  	s28 =	sshrl.u32 s12, $0x1;
	s8 =	smul.u32 $0x500, s8;
	s30 =	sadd.s32 s6, s2  }
0xc: {  	s6 =	sor.u32 $0x1C01, s31;
	s11 =	simm.s32 $0x1;
	s10 =	sadd.s32 s10, s5  }
0xd: {  	s9 =	sshrl.u32 s9, $0x3;
	s29 =	ssub.s32 s12, s28;
	s12 =	simm.s32 $0x2800  }
0xe: {  	s9 =	sadd.s32 s9, s5;
	s5 =	sadd.s32 $0x1800, s10;
	s7 =	sadd.s32 s7, s8  }
0xf: {  	s10 =	sshrl.u32 s30, $0x3;
	s8 =	sadd.s32 $0x1E00, s9;
	s9 =	smax.u32 s29, $0x1  }
.LBB2_1:
0x10: {  	[spmem:s10], [sflag:s6] =	dma.local [hbm:s5], $0x50  }
0x11: {  	_ =	swait.ge [sflag:s11], $0x50  }
0x12: {  	[sflag:s11] =	ssyncset.done $0x0  }
0x13: {  	[sflag:s11] =	ssyncadd.s32 $0xFFFFFFB0  }
0x14: {  	[tilespmem:s3], [sflag:$0x1] =	stream.linear.gather [hbm4b:s7+s3], $0x2800, $0x38;
	[tilespmem:$0x2B00] =	vst v63  }
0x15: {  	_ =	swait.ge [sflag:s11], $0x2800  }
0x16: {  	[sflag:s11] =	ssyncset.done $0x0  }
0x17: {  	[sflag:s11] =	ssyncadd.s32 $0xFFFFD800  }
0x18: {  	[tilespmem:s12], [sflag:$0x1] =	stream.linear.gather [hbm4b:s4+s3], $0x80, $0x38;
	[tilespmem:$0x2B00] =	vst v63  }
0x19: {  	_ =	swait.ge [sflag:s11], $0x80  }
0x1a: {  	[sflag:s11] =	ssyncset.done $0x0  }
0x1b: {  	[sflag:s11] =	ssyncadd.s32 $0xFFFFFF80  }
0x1c: {  	s17 =	simm.s32 $0x0;
	[bflag:$0x0] =	sbarrier.arrive $0xFFFF  }
0x1d: {  	[spmem:s2] =	stream.indirect.scatter.add.f32 [tilespmem:s12], [sflag:$0x1], $0x1, s17, s13, $0xb8;
	[tilespmem:$0x2B00] =	vst v63  }
0x1e: {  	_ =	swait.ge [sflag:s11], $0x80  }
0x1f: {  	s17 =	simm.s32 $0x200;
	[sflag:s11] =	ssyncset.done $0x0  }
.LBB2_2:
0x20: {  	s18 =	sshra.s32 s17, $0x2;
	[sflag:s11] =	ssyncadd.s32 $0xFFFFFF80;
	p0 =	sne.s32 s17, $0x9E00  }
0x21: {  	[spmem:s2] =	stream.indirect.scatter.add.f32 [tilespmem:s12], [sflag:$0x1], $0x1, s18, s13, $0xb8;
	[tilespmem:$0x2B00] =	vst v63  }
.Ltmp0:
0x22: {  	_ = 	snop;
	(pc) =	sbr.rel @p0 .LBB2_2-.Ltmp0, $4  }
0x23: {  	_ = 	snop  }
0x24: {  	s17 =	sadd.s32 $0x200, s17  }
0x25: {  	_ =	swait.ge [sflag:s11], $0x80  }
0x26: {  	[sflag:s11] =	ssyncset.done $0x0  }
0x27: {  	s16 =	sadd.s32 $0x1, s16  }
0x28: {  	[sflag:s11] =	ssyncadd.s32 $0xFFFFFF80;
	p0 =	sne.s32 s16, s9  }
.Ltmp1:
0x29: {  	[bflag:$0x0] =	sbarrier.arrive $0xFFFF;
	(pc) =	sbr.rel @p0 .LBB2_1-.Ltmp1, $4  }
0x2a: {  	[hbm:s8@s14], [sflag:s6] =	dma.strided [spmem:s10@s15], $0x50, s11, $0x10   }
0x2b: {  	_ =	swait.ge [sflag:s11], $0x50  }
0x2c: {  	[sflag:s11] =	ssyncset.done $0x0  }
0x2d: {  	[sflag:s11] =	ssyncadd.s32 $0xFFFFFFB0  }
0x2e: {  	_ =	sfence.sel $0x180000  }
0x2f: {  	[bflag:$0x0] =	sbarrier.arrive $0xFFFF  }
0x30: {  	p0 =	sne.s32 s1, $0x0;
	_ =	strace $0x90000047  }
0x31: {  	s0 =	sadd.s32 @!p0 $0x100000, s0;
	[bflag:$0x2] =	sbarrier.arrive $0xFFFF  }
0x32: {  	[sflag:s0] =	ssyncadd.tile.s32 @!p0 $0x1;
	_ =	shalt  }
.Lfunc_end2:
_tile_overlayer_lowered:
.L_overlay_start_2:
0x33: {  	(tag) =	ssettag $0x2  }
0x34: {  	s0 =	rddreg [dreg:$0x0];
	s2 =	stileid.u32  }
0x35: {  	s1 =	rddreg [dreg:$0x1];
	p0 =	sne.s32 s2, $0x0  }
0x36: {  	s3 =	rddreg [dreg:$0x2];
	[bflag:$0x3] =	sbarrier.arrive $0xFFFF;
	s2 =	simm.s32 @!p0 $0x1C01  }
0x37: {  	[timem:s3], [sflag:s2] =	dma.local @!p0 [hbm:s0], s1  }
0x38: {  	s0 =	simm.s32 @!p0 $0x1  }
0x39: {  	_ =	swait.ge @!p0 [sflag:s0], s1  }
0x3a: {  	s1 =	ssub.s32 @!p0 $0x0, s1;
	[sflag:s0] =	ssyncset.done @!p0 $0x0  }
0x3b: {  	[sflag:s0] =	ssyncadd.s32 @!p0 s1  }
0x3c: {  	[bflag:$0x3] =	sbarrier.arrive $0xFFFF  }
0x3d: {  	_ =	shalt  }

</sc_bundles>
